<compile_context>
chip_gen: v7x
topology: tpu7x:2x2x1
jax: 0.10.2.dev20260603
libtpu: 0.0.44.dev20260713+nightly
codegen_flags: <defaults>
</compile_context>

<pallas_src>
import functools

import jax
import jax.numpy as jnp
from jax import lax
from jax.experimental import pallas as pl
from jax.experimental.pallas import tpu as pltpu
from jax.experimental.pallas import tpu_sc as plsc

_D = 128
_NC = 2
_NS = 16
_NW = _NC * _NS
_CHUNK = 128
_NBUF = 7
_LOOKAHEAD = 5


@functools.lru_cache(maxsize=None)
def _make_gather(n_tokens):
    per_w = n_tokens // _NW
    n_chunk = per_w // _CHUNK
    assert per_w * _NW == n_tokens and n_chunk * _CHUNK == per_w
    assert n_chunk % _NBUF == 1

    mesh = plsc.VectorSubcoreMesh(core_axis_name="c", subcore_axis_name="s")

    @functools.partial(
        pl.kernel,
        out_type=jax.ShapeDtypeStruct((n_tokens, _D), jnp.float32),
        mesh=mesh,
        scratch_types=[
            pltpu.VMEM((n_chunk, _CHUNK), jnp.int32),
            pltpu.VMEM((_NBUF, _CHUNK, _D), jnp.float32),
            [pltpu.SemaphoreType.DMA] * _NBUF,
            [pltpu.SemaphoreType.DMA] * _NBUF,
        ],
    )
    def gather_kernel(idx_hbm, table_hbm, out_hbm, idx_v, rows_v, gsems, osems):
        wid = lax.axis_index("s") * _NC + lax.axis_index("c")
        base = wid * per_w
        pltpu.sync_copy(idx_hbm.at[wid], idx_v)

        def start_gather(j, b):
            pltpu.async_copy(table_hbm.at[idx_v.at[j]], rows_v.at[b], gsems[b])

        def wait_gather(b):
            pltpu.make_async_copy(
                table_hbm.at[idx_v.at[0]], rows_v.at[b], gsems[b]
            ).wait()

        def start_out(j, b):
            pltpu.async_copy(
                rows_v.at[b],
                out_hbm.at[pl.ds(base + j * _CHUNK, _CHUNK)],
                osems[b],
            )

        def wait_out(b):
            pltpu.make_async_copy(
                rows_v.at[b], out_hbm.at[pl.ds(base, _CHUNK)], osems[b]
            ).wait()

        for j in range(_LOOKAHEAD):
            start_gather(j, j)

        @pl.loop(0, n_chunk - 1, step=_NBUF)
        def _group(g):
            for b in range(_NBUF):
                j = g + b
                wait_gather(b)
                start_out(j, b)
                s = (b + _LOOKAHEAD) % _NBUF

                @pl.when(j + _LOOKAHEAD < n_chunk)
                def _issue():
                    @pl.when(j >= _NBUF - _LOOKAHEAD)
                    def _recycle():
                        wait_out(s)

                    start_gather(j + _LOOKAHEAD, s)

        tail = n_chunk - 1
        b_tail = tail % _NBUF
        wait_gather(b_tail)
        start_out(tail, b_tail)
        for b in range(_NBUF):
            wait_out(b)

    return gather_kernel


def kernel(token_ids, table):
    b, l = token_ids.shape
    n = b * l
    idx = token_ids.reshape(_NW, n // (_NW * _CHUNK), _CHUNK).astype(jnp.int32)
    out = _make_gather(n)(idx, table)
    return out.reshape(b, l, _D)

# --- scband reference (transcript-rebuilt; emitter-appended) ---
"""Pipeline reference for scband-glove-branch-31731218382908 (READ-ONLY COPY).

The authoritative reference and input builder live on the scoring server;
editing this copy changes nothing except your own understanding.
"""

import jax, jax.numpy as jnp
import numpy as np

VOCAB = 100000
EMBED_DIM = 128


def setup_inputs(seed: int = 0) -> dict:
    key = jax.random.key(seed)
    k_ids, k_tab = jax.random.split(key)
    token_ids = jax.random.randint(k_ids, (1024, 200), 0, VOCAB, dtype=jnp.int64)
    table = jax.random.normal(k_tab, (VOCAB, EMBED_DIM), dtype=jnp.float32) * 0.02
    # padding_idx=0 -> row 0 is zeros
    table = table.at[0].set(0.0)
    return {"token_ids": token_ids, "table": table}


def reference(token_ids, table):
    # nn.Embedding lookup (gather rows). Dropout is identity in eval mode.
    emb = jnp.take(table, token_ids, axis=0)  # [B, L, D]
    return emb

if __name__ == "__main__":
    import jax
    _d = setup_inputs()
    print(jax.jit(kernel)(*tuple(_d.values())))

</pallas_src>

<mosaic_0001>
#map = affine_map<(d0, d1) -> (0, 0, 0)>
#map1 = affine_map<(d0, d1) -> (0, 0)>
module attributes {stable_mosaic.version = 14 : i64} {
  func.func @gather_kernel(%arg0: i32, %arg1: i32, %arg2: memref<32x50x128xi32, #tpu.memory_space<hbm>>, %arg3: memref<100000x128xf32, #tpu.memory_space<hbm>>, %arg4: memref<204800x128xf32, #tpu.memory_space<hbm>>, %arg5: memref<50x128xi32, #tpu.memory_space<vmem>>, %arg6: memref<7x128x128xf32, #tpu.memory_space<vmem>>, %arg7: memref<!tpu.dma_semaphore, #tpu.memory_space<semaphore_mem>>, %arg8: memref<!tpu.dma_semaphore, #tpu.memory_space<semaphore_mem>>, %arg9: memref<!tpu.dma_semaphore, #tpu.memory_space<semaphore_mem>>, %arg10: memref<!tpu.dma_semaphore, #tpu.memory_space<semaphore_mem>>, %arg11: memref<!tpu.dma_semaphore, #tpu.memory_space<semaphore_mem>>, %arg12: memref<!tpu.dma_semaphore, #tpu.memory_space<semaphore_mem>>, %arg13: memref<!tpu.dma_semaphore, #tpu.memory_space<semaphore_mem>>, %arg14: memref<!tpu.dma_semaphore, #tpu.memory_space<semaphore_mem>>, %arg15: memref<!tpu.dma_semaphore, #tpu.memory_space<semaphore_mem>>, %arg16: memref<!tpu.dma_semaphore, #tpu.memory_space<semaphore_mem>>, %arg17: memref<!tpu.dma_semaphore, #tpu.memory_space<semaphore_mem>>, %arg18: memref<!tpu.dma_semaphore, #tpu.memory_space<semaphore_mem>>, %arg19: memref<!tpu.dma_semaphore, #tpu.memory_space<semaphore_mem>>, %arg20: memref<!tpu.dma_semaphore, #tpu.memory_space<semaphore_mem>>) attributes {dimension_semantics = [#tpu.dimension_semantics<core_parallel>, #tpu.dimension_semantics<subcore_parallel>], iteration_bounds = array<i64: 2, 16>, scalar_prefetch = 0 : i64, scratch_operands = 16 : i64, tpu.core_type = #tpu.core_type<sc_vector_subcore>, window_params = [{transform_indices = #map}, {transform_indices = #map1}, {transform_indices = #map1}]} {
    %mul3A = arith.constant 2 : i32
    %mul3A_0 = arith.muli %arg1, %mul3A : i32
    %add3A = arith.addi %mul3A_0, %arg0 : i32
    %mul3A_1 = arith.constant 6400 : i32
    %mul3A_2 = arith.muli %add3A, %mul3A_1 : i32
    "tpu.region"() ({
      %run_scoped3A = tpu.sem_alloc : memref<!tpu.dma_semaphore, #tpu.memory_space<semaphore_mem>>
      %dma_start3A_183 = arith.constant 0 : i32
      %dma_start3A_184 = arith.constant 0 : i32
      %dma_start3A_185 = tpu.memref_slice %arg2[%add3A, %dma_start3A_183, %dma_start3A_184] : memref<32x50x128xi32, #tpu.memory_space<hbm>> -> memref<1x50x128xi32, #tpu.memory_space<hbm>>
      %dma_start3A_186 = tpu.memref_squeeze %dma_start3A_185 : memref<1x50x128xi32, #tpu.memory_space<hbm>> -> memref<50x128xi32, #tpu.memory_space<hbm>>
      %dma_start3A_187 = arith.constant 0 : i32
      %dma_start3A_188 = arith.constant 0 : i32
      %dma_start3A_189 = tpu.memref_slice %arg2[%add3A, %dma_start3A_187, %dma_start3A_188] : memref<32x50x128xi32, #tpu.memory_space<hbm>> -> memref<1x50x128xi32, #tpu.memory_space<hbm>>
      %dma_start3A_190 = tpu.memref_squeeze %dma_start3A_189 : memref<1x50x128xi32, #tpu.memory_space<hbm>> -> memref<50x128xi32, #tpu.memory_space<hbm>>
      tpu.enqueue_dma source(%dma_start3A_190 : memref<50x128xi32, #tpu.memory_space<hbm>>) target(%arg5 : memref<50x128xi32, #tpu.memory_space<vmem>>) target_semaphore(%run_scoped3A : memref<!tpu.dma_semaphore, #tpu.memory_space<semaphore_mem>>)
      %dma_wait3A_191 = arith.constant 0 : i32
      %dma_wait3A_192 = arith.constant 0 : i32
      %dma_wait3A_193 = tpu.memref_slice %arg2[%add3A, %dma_wait3A_191, %dma_wait3A_192] : memref<32x50x128xi32, #tpu.memory_space<hbm>> -> memref<1x50x128xi32, #tpu.memory_space<hbm>>
      %dma_wait3A_194 = tpu.memref_squeeze %dma_wait3A_193 : memref<1x50x128xi32, #tpu.memory_space<hbm>> -> memref<50x128xi32, #tpu.memory_space<hbm>>
      %dma_wait3A_195 = arith.constant 0 : i32
      %dma_wait3A_196 = arith.constant 0 : i32
      %dma_wait3A_197 = tpu.memref_slice %arg2[%add3A, %dma_wait3A_195, %dma_wait3A_196] : memref<32x50x128xi32, #tpu.memory_space<hbm>> -> memref<1x50x128xi32, #tpu.memory_space<hbm>>
      %dma_wait3A_198 = tpu.memref_squeeze %dma_wait3A_197 : memref<1x50x128xi32, #tpu.memory_space<hbm>> -> memref<50x128xi32, #tpu.memory_space<hbm>>
      tpu.wait_dma2 semaphore(%run_scoped3A : memref<!tpu.dma_semaphore, #tpu.memory_space<semaphore_mem>>) src(%dma_wait3A_198 : memref<50x128xi32, #tpu.memory_space<hbm>>) dst(%arg5 : memref<50x128xi32, #tpu.memory_space<vmem>>)
      tpu.yield
    }) : () -> ()
    %dma_start3A = arith.constant 0 : i32
    %dma_start3A_3 = arith.constant 0 : i32
    %dma_start3A_4 = arith.constant 0 : i32
    %dma_start3A_5 = arith.constant 0 : i32
    %dma_start3A_6 = tpu.memref_slice %arg6[%dma_start3A_3, %dma_start3A_4, %dma_start3A_5] : memref<7x128x128xf32, #tpu.memory_space<vmem>> -> memref<1x128x128xf32, #tpu.memory_space<vmem>>
    %dma_start3A_7 = tpu.memref_squeeze %dma_start3A_6 : memref<1x128x128xf32, #tpu.memory_space<vmem>> -> memref<128x128xf32, #tpu.memory_space<vmem>>
    %dma_start3A_8 = arith.constant 0 : i32
    %dma_start3A_9 = tpu.memref_slice %arg5[%dma_start3A, %dma_start3A_8] : memref<50x128xi32, #tpu.memory_space<vmem>> -> memref<1x128xi32, #tpu.memory_space<vmem>>
    %dma_start3A_10 = tpu.memref_squeeze %dma_start3A_9 : memref<1x128xi32, #tpu.memory_space<vmem>> -> memref<128xi32, #tpu.memory_space<vmem>>
    %dma_start3A_11 = arith.constant 0 : i32
    %dma_start3A_12 = arith.constant 0 : i32
    %dma_start3A_13 = tpu.memref_slice %arg3[%dma_start3A_11, %dma_start3A_12] : memref<100000x128xf32, #tpu.memory_space<hbm>> -> memref<100000x128xf32, #tpu.memory_space<hbm>>
    tpu.enqueue_indirect_dma source(%dma_start3A_13 : memref<100000x128xf32, #tpu.memory_space<hbm>>) target(%dma_start3A_7 : memref<128x128xf32, #tpu.memory_space<vmem>>) offsets(%dma_start3A_10 : memref<128xi32, #tpu.memory_space<vmem>>) semaphore(%arg7 : memref<!tpu.dma_semaphore, #tpu.memory_space<semaphore_mem>>)
    %dma_start3A_14 = arith.constant 1 : i32
    %dma_start3A_15 = arith.constant 1 : i32
    %dma_start3A_16 = arith.constant 0 : i32
    %dma_start3A_17 = arith.constant 0 : i32
    %dma_start3A_18 = tpu.memref_slice %arg6[%dma_start3A_15, %dma_start3A_16, %dma_start3A_17] : memref<7x128x128xf32, #tpu.memory_space<vmem>> -> memref<1x128x128xf32, #tpu.memory_space<vmem>>
    %dma_start3A_19 = tpu.memref_squeeze %dma_start3A_18 : memref<1x128x128xf32, #tpu.memory_space<vmem>> -> memref<128x128xf32, #tpu.memory_space<vmem>>
    %dma_start3A_20 = arith.constant 0 : i32
    %dma_start3A_21 = tpu.memref_slice %arg5[%dma_start3A_14, %dma_start3A_20] : memref<50x128xi32, #tpu.memory_space<vmem>> -> memref<1x128xi32, #tpu.memory_space<vmem>>
    %dma_start3A_22 = tpu.memref_squeeze %dma_start3A_21 : memref<1x128xi32, #tpu.memory_space<vmem>> -> memref<128xi32, #tpu.memory_space<vmem>>
    %dma_start3A_23 = arith.constant 0 : i32
    %dma_start3A_24 = arith.constant 0 : i32
    %dma_start3A_25 = tpu.memref_slice %arg3[%dma_start3A_23, %dma_start3A_24] : memref<100000x128xf32, #tpu.memory_space<hbm>> -> memref<100000x128xf32, #tpu.memory_space<hbm>>
    tpu.enqueue_indirect_dma source(%dma_start3A_25 : memref<100000x128xf32, #tpu.memory_space<hbm>>) target(%dma_start3A_19 : memref<128x128xf32, #tpu.memory_space<vmem>>) offsets(%dma_start3A_22 : memref<128xi32, #tpu.memory_space<vmem>>) semaphore(%arg8 : memref<!tpu.dma_semaphore, #tpu.memory_space<semaphore_mem>>)
    %dma_start3A_26 = arith.constant 2 : i32
    %dma_start3A_27 = arith.constant 2 : i32
    %dma_start3A_28 = arith.constant 0 : i32
    %dma_start3A_29 = arith.constant 0 : i32
    %dma_start3A_30 = tpu.memref_slice %arg6[%dma_start3A_27, %dma_start3A_28, %dma_start3A_29] : memref<7x128x128xf32, #tpu.memory_space<vmem>> -> memref<1x128x128xf32, #tpu.memory_space<vmem>>
    %dma_start3A_31 = tpu.memref_squeeze %dma_start3A_30 : memref<1x128x128xf32, #tpu.memory_space<vmem>> -> memref<128x128xf32, #tpu.memory_space<vmem>>
    %dma_start3A_32 = arith.constant 0 : i32
    %dma_start3A_33 = tpu.memref_slice %arg5[%dma_start3A_26, %dma_start3A_32] : memref<50x128xi32, #tpu.memory_space<vmem>> -> memref<1x128xi32, #tpu.memory_space<vmem>>
    %dma_start3A_34 = tpu.memref_squeeze %dma_start3A_33 : memref<1x128xi32, #tpu.memory_space<vmem>> -> memref<128xi32, #tpu.memory_space<vmem>>
    %dma_start3A_35 = arith.constant 0 : i32
    %dma_start3A_36 = arith.constant 0 : i32
    %dma_start3A_37 = tpu.memref_slice %arg3[%dma_start3A_35, %dma_start3A_36] : memref<100000x128xf32, #tpu.memory_space<hbm>> -> memref<100000x128xf32, #tpu.memory_space<hbm>>
    tpu.enqueue_indirect_dma source(%dma_start3A_37 : memref<100000x128xf32, #tpu.memory_space<hbm>>) target(%dma_start3A_31 : memref<128x128xf32, #tpu.memory_space<vmem>>) offsets(%dma_start3A_34 : memref<128xi32, #tpu.memory_space<vmem>>) semaphore(%arg9 : memref<!tpu.dma_semaphore, #tpu.memory_space<semaphore_mem>>)
    %dma_start3A_38 = arith.constant 3 : i32
    %dma_start3A_39 = arith.constant 3 : i32
    %dma_start3A_40 = arith.constant 0 : i32
    %dma_start3A_41 = arith.constant 0 : i32
    %dma_start3A_42 = tpu.memref_slice %arg6[%dma_start3A_39, %dma_start3A_40, %dma_start3A_41] : memref<7x128x128xf32, #tpu.memory_space<vmem>> -> memref<1x128x128xf32, #tpu.memory_space<vmem>>
    %dma_start3A_43 = tpu.memref_squeeze %dma_start3A_42 : memref<1x128x128xf32, #tpu.memory_space<vmem>> -> memref<128x128xf32, #tpu.memory_space<vmem>>
    %dma_start3A_44 = arith.constant 0 : i32
    %dma_start3A_45 = tpu.memref_slice %arg5[%dma_start3A_38, %dma_start3A_44] : memref<50x128xi32, #tpu.memory_space<vmem>> -> memref<1x128xi32, #tpu.memory_space<vmem>>
    %dma_start3A_46 = tpu.memref_squeeze %dma_start3A_45 : memref<1x128xi32, #tpu.memory_space<vmem>> -> memref<128xi32, #tpu.memory_space<vmem>>
    %dma_start3A_47 = arith.constant 0 : i32
    %dma_start3A_48 = arith.constant 0 : i32
    %dma_start3A_49 = tpu.memref_slice %arg3[%dma_start3A_47, %dma_start3A_48] : memref<100000x128xf32, #tpu.memory_space<hbm>> -> memref<100000x128xf32, #tpu.memory_space<hbm>>
    tpu.enqueue_indirect_dma source(%dma_start3A_49 : memref<100000x128xf32, #tpu.memory_space<hbm>>) target(%dma_start3A_43 : memref<128x128xf32, #tpu.memory_space<vmem>>) offsets(%dma_start3A_46 : memref<128xi32, #tpu.memory_space<vmem>>) semaphore(%arg10 : memref<!tpu.dma_semaphore, #tpu.memory_space<semaphore_mem>>)
    %dma_start3A_50 = arith.constant 4 : i32
    %dma_start3A_51 = arith.constant 4 : i32
    %dma_start3A_52 = arith.constant 0 : i32
    %dma_start3A_53 = arith.constant 0 : i32
    %dma_start3A_54 = tpu.memref_slice %arg6[%dma_start3A_51, %dma_start3A_52, %dma_start3A_53] : memref<7x128x128xf32, #tpu.memory_space<vmem>> -> memref<1x128x128xf32, #tpu.memory_space<vmem>>
    %dma_start3A_55 = tpu.memref_squeeze %dma_start3A_54 : memref<1x128x128xf32, #tpu.memory_space<vmem>> -> memref<128x128xf32, #tpu.memory_space<vmem>>
    %dma_start3A_56 = arith.constant 0 : i32
    %dma_start3A_57 = tpu.memref_slice %arg5[%dma_start3A_50, %dma_start3A_56] : memref<50x128xi32, #tpu.memory_space<vmem>> -> memref<1x128xi32, #tpu.memory_space<vmem>>
    %dma_start3A_58 = tpu.memref_squeeze %dma_start3A_57 : memref<1x128xi32, #tpu.memory_space<vmem>> -> memref<128xi32, #tpu.memory_space<vmem>>
    %dma_start3A_59 = arith.constant 0 : i32
    %dma_start3A_60 = arith.constant 0 : i32
    %dma_start3A_61 = tpu.memref_slice %arg3[%dma_start3A_59, %dma_start3A_60] : memref<100000x128xf32, #tpu.memory_space<hbm>> -> memref<100000x128xf32, #tpu.memory_space<hbm>>
    tpu.enqueue_indirect_dma source(%dma_start3A_61 : memref<100000x128xf32, #tpu.memory_space<hbm>>) target(%dma_start3A_55 : memref<128x128xf32, #tpu.memory_space<vmem>>) offsets(%dma_start3A_58 : memref<128xi32, #tpu.memory_space<vmem>>) semaphore(%arg11 : memref<!tpu.dma_semaphore, #tpu.memory_space<semaphore_mem>>)
    %scan3A = arith.constant 0 : i32
    %scan3A_62 = arith.constant 7 : i32
    %scan3A_63 = arith.addi %scan3A, %scan3A_62 : i32
    %scan3A_64 = arith.constant 1 : i32
    scf.for %scan3A_183 = %scan3A to %scan3A_63 step %scan3A_64  : i32 {
      %mul3A_184 = arith.constant 7 : i32
      %mul3A_185 = arith.muli %scan3A_183, %mul3A_184 : i32
      %add3A_186 = arith.constant 0 : i32
      %add3A_187 = arith.addi %add3A_186, %mul3A_185 : i32
      %add3A_188 = arith.constant 0 : i32
      %add3A_189 = arith.addi %add3A_187, %add3A_188 : i32
      %dma_wait3A_190 = arith.constant 0 : i32
      %dma_wait3A_191 = arith.constant 0 : i32
      %dma_wait3A_192 = arith.constant 0 : i32
      %dma_wait3A_193 = arith.constant 0 : i32
      %dma_wait3A_194 = tpu.memref_slice %arg6[%dma_wait3A_191, %dma_wait3A_192, %dma_wait3A_193] : memref<7x128x128xf32, #tpu.memory_space<vmem>> -> memref<1x128x128xf32, #tpu.memory_space<vmem>>
      %dma_wait3A_195 = tpu.memref_squeeze %dma_wait3A_194 : memref<1x128x128xf32, #tpu.memory_space<vmem>> -> memref<128x128xf32, #tpu.memory_space<vmem>>
      %dma_wait3A_196 = arith.constant 0 : i32
      %dma_wait3A_197 = tpu.memref_slice %arg5[%dma_wait3A_190, %dma_wait3A_196] : memref<50x128xi32, #tpu.memory_space<vmem>> -> memref<1x128xi32, #tpu.memory_space<vmem>>
      %dma_wait3A_198 = tpu.memref_squeeze %dma_wait3A_197 : memref<1x128xi32, #tpu.memory_space<vmem>> -> memref<128xi32, #tpu.memory_space<vmem>>
      %dma_wait3A_199 = arith.constant 0 : i32
      %dma_wait3A_200 = arith.constant 0 : i32
      %dma_wait3A_201 = tpu.memref_slice %arg3[%dma_wait3A_199, %dma_wait3A_200] : memref<100000x128xf32, #tpu.memory_space<hbm>> -> memref<100000x128xf32, #tpu.memory_space<hbm>>
      tpu.wait_indirect_dma semaphore(%arg7 : memref<!tpu.dma_semaphore, #tpu.memory_space<semaphore_mem>>) src(%dma_wait3A_201 : memref<100000x128xf32, #tpu.memory_space<hbm>>) dst(%dma_wait3A_195 : memref<128x128xf32, #tpu.memory_space<vmem>>)
      %mul3A_202 = arith.constant 128 : i32
      %mul3A_203 = arith.muli %add3A_189, %mul3A_202 : i32
      %add3A_204 = arith.addi %mul3A_2, %mul3A_203 : i32
      %dma_start3A_205 = arith.constant 0 : i32
      %dma_start3A_206 = arith.constant 0 : i32
      %dma_start3A_207 = arith.constant 0 : i32
      %dma_start3A_208 = tpu.memref_slice %arg6[%dma_start3A_205, %dma_start3A_206, %dma_start3A_207] : memref<7x128x128xf32, #tpu.memory_space<vmem>> -> memref<1x128x128xf32, #tpu.memory_space<vmem>>
      %dma_start3A_209 = tpu.memref_squeeze %dma_start3A_208 : memref<1x128x128xf32, #tpu.memory_space<vmem>> -> memref<128x128xf32, #tpu.memory_space<vmem>>
      %dma_start3A_210 = arith.constant 0 : i32
      %dma_start3A_211 = tpu.memref_slice %arg4[%add3A_204, %dma_start3A_210] : memref<204800x128xf32, #tpu.memory_space<hbm>> -> memref<128x128xf32, #tpu.memory_space<hbm>>
      %dma_start3A_212 = arith.constant 0 : i32
      %dma_start3A_213 = tpu.memref_slice %arg4[%add3A_204, %dma_start3A_212] : memref<204800x128xf32, #tpu.memory_space<hbm>> -> memref<128x128xf32, #tpu.memory_space<hbm>>
      %dma_start3A_214 = arith.constant 0 : i32
      %dma_start3A_215 = arith.constant 0 : i32
      %dma_start3A_216 = tpu.memref_slice %arg6[%dma_start3A_205, %dma_start3A_214, %dma_start3A_215] : memref<7x128x128xf32, #tpu.memory_space<vmem>> -> memref<1x128x128xf32, #tpu.memory_space<vmem>>
      %dma_start3A_217 = tpu.memref_squeeze %dma_start3A_216 : memref<1x128x128xf32, #tpu.memory_space<vmem>> -> memref<128x128xf32, #tpu.memory_space<vmem>>
      tpu.enqueue_dma source(%dma_start3A_217 : memref<128x128xf32, #tpu.memory_space<vmem>>) target(%dma_start3A_213 : memref<128x128xf32, #tpu.memory_space<hbm>>) target_semaphore(%arg14 : memref<!tpu.dma_semaphore, #tpu.memory_space<semaphore_mem>>)
      %add3A_218 = arith.constant 5 : i32
      %add3A_219 = arith.addi %add3A_189, %add3A_218 : i32
      %lt3A = arith.constant 50 : i32
      %lt3A_220 = arith.cmpi slt, %add3A_219, %lt3A : i32
      %convert_element_type3A = arith.extui %lt3A_220 : i1 to i32
      %cond3A = arith.constant 0 : i32
      %cond3A_221 = arith.cmpi ne, %convert_element_type3A, %cond3A : i32
      scf.if %cond3A_221 {
        %ge3A = arith.constant 2 : i32
        %ge3A_444 = arith.cmpi sge, %add3A_189, %ge3A : i32
        %convert_element_type3A_445 = arith.extui %ge3A_444 : i1 to i32
        %cond3A_446 = arith.constant 0 : i32
        %cond3A_447 = arith.cmpi ne, %convert_element_type3A_445, %cond3A_446 : i32
        scf.if %cond3A_447 {
          %dma_wait3A_461 = arith.constant 5 : i32
          %dma_wait3A_462 = arith.constant 0 : i32
          %dma_wait3A_463 = arith.constant 0 : i32
          %dma_wait3A_464 = tpu.memref_slice %arg6[%dma_wait3A_461, %dma_wait3A_462, %dma_wait3A_463] : memref<7x128x128xf32, #tpu.memory_space<vmem>> -> memref<1x128x128xf32, #tpu.memory_space<vmem>>
          %dma_wait3A_465 = tpu.memref_squeeze %dma_wait3A_464 : memref<1x128x128xf32, #tpu.memory_space<vmem>> -> memref<128x128xf32, #tpu.memory_space<vmem>>
          %dma_wait3A_466 = arith.constant 0 : i32
          %dma_wait3A_467 = tpu.memref_slice %arg4[%mul3A_2, %dma_wait3A_466] : memref<204800x128xf32, #tpu.memory_space<hbm>> -> memref<128x128xf32, #tpu.memory_space<hbm>>
          %dma_wait3A_468 = arith.constant 0 : i32
          %dma_wait3A_469 = tpu.memref_slice %arg4[%mul3A_2, %dma_wait3A_468] : memref<204800x128xf32, #tpu.memory_space<hbm>> -> memref<128x128xf32, #tpu.memory_space<hbm>>
          %dma_wait3A_470 = arith.constant 0 : i32
          %dma_wait3A_471 = arith.constant 0 : i32
          %dma_wait3A_472 = tpu.memref_slice %arg6[%dma_wait3A_461, %dma_wait3A_470, %dma_wait3A_471] : memref<7x128x128xf32, #tpu.memory_space<vmem>> -> memref<1x128x128xf32, #tpu.memory_space<vmem>>
          %dma_wait3A_473 = tpu.memref_squeeze %dma_wait3A_472 : memref<1x128x128xf32, #tpu.memory_space<vmem>> -> memref<128x128xf32, #tpu.memory_space<vmem>>
          tpu.wait_dma2 semaphore(%arg19 : memref<!tpu.dma_semaphore, #tpu.memory_space<semaphore_mem>>) src(%dma_wait3A_473 : memref<128x128xf32, #tpu.memory_space<vmem>>) dst(%dma_wait3A_469 : memref<128x128xf32, #tpu.memory_space<hbm>>)
        } else {
        }
        %add3A_448 = arith.constant 5 : i32
        %add3A_449 = arith.addi %add3A_189, %add3A_448 : i32
        %dma_start3A_450 = arith.constant 5 : i32
        %dma_start3A_451 = arith.constant 0 : i32
        %dma_start3A_452 = arith.constant 0 : i32
        %dma_start3A_453 = tpu.memref_slice %arg6[%dma_start3A_450, %dma_start3A_451, %dma_start3A_452] : memref<7x128x128xf32, #tpu.memory_space<vmem>> -> memref<1x128x128xf32, #tpu.memory_space<vmem>>
        %dma_start3A_454 = tpu.memref_squeeze %dma_start3A_453 : memref<1x128x128xf32, #tpu.memory_space<vmem>> -> memref<128x128xf32, #tpu.memory_space<vmem>>
        %dma_start3A_455 = arith.constant 0 : i32
        %dma_start3A_456 = tpu.memref_slice %arg5[%add3A_449, %dma_start3A_455] : memref<50x128xi32, #tpu.memory_space<vmem>> -> memref<1x128xi32, #tpu.memory_space<vmem>>
        %dma_start3A_457 = tpu.memref_squeeze %dma_start3A_456 : memref<1x128xi32, #tpu.memory_space<vmem>> -> memref<128xi32, #tpu.memory_space<vmem>>
        %dma_start3A_458 = arith.constant 0 : i32
        %dma_start3A_459 = arith.constant 0 : i32
        %dma_start3A_460 = tpu.memref_slice %arg3[%dma_start3A_458, %dma_start3A_459] : memref<100000x128xf32, #tpu.memory_space<hbm>> -> memref<100000x128xf32, #tpu.memory_space<hbm>>
        tpu.enqueue_indirect_dma source(%dma_start3A_460 : memref<100000x128xf32, #tpu.memory_space<hbm>>) target(%dma_start3A_454 : memref<128x128xf32, #tpu.memory_space<vmem>>) offsets(%dma_start3A_457 : memref<128xi32, #tpu.memory_space<vmem>>) semaphore(%arg12 : memref<!tpu.dma_semaphore, #tpu.memory_space<semaphore_mem>>)
      } else {
      }
      %add3A_222 = arith.constant 1 : i32
      %add3A_223 = arith.addi %add3A_187, %add3A_222 : i32
      %dma_wait3A_224 = arith.constant 0 : i32
      %dma_wait3A_225 = arith.constant 1 : i32
      %dma_wait3A_226 = arith.constant 0 : i32
      %dma_wait3A_227 = arith.constant 0 : i32
      %dma_wait3A_228 = tpu.memref_slice %arg6[%dma_wait3A_225, %dma_wait3A_226, %dma_wait3A_227] : memref<7x128x128xf32, #tpu.memory_space<vmem>> -> memref<1x128x128xf32, #tpu.memory_space<vmem>>
      %dma_wait3A_229 = tpu.memref_squeeze %dma_wait3A_228 : memref<1x128x128xf32, #tpu.memory_space<vmem>> -> memref<128x128xf32, #tpu.memory_space<vmem>>
      %dma_wait3A_230 = arith.constant 0 : i32
      %dma_wait3A_231 = tpu.memref_slice %arg5[%dma_wait3A_224, %dma_wait3A_230] : memref<50x128xi32, #tpu.memory_space<vmem>> -> memref<1x128xi32, #tpu.memory_space<vmem>>
      %dma_wait3A_232 = tpu.memref_squeeze %dma_wait3A_231 : memref<1x128xi32, #tpu.memory_space<vmem>> -> memref<128xi32, #tpu.memory_space<vmem>>
      %dma_wait3A_233 = arith.constant 0 : i32
      %dma_wait3A_234 = arith.constant 0 : i32
      %dma_wait3A_235 = tpu.memref_slice %arg3[%dma_wait3A_233, %dma_wait3A_234] : memref<100000x128xf32, #tpu.memory_space<hbm>> -> memref<100000x128xf32, #tpu.memory_space<hbm>>
      tpu.wait_indirect_dma semaphore(%arg8 : memref<!tpu.dma_semaphore, #tpu.memory_space<semaphore_mem>>) src(%dma_wait3A_235 : memref<100000x128xf32, #tpu.memory_space<hbm>>) dst(%dma_wait3A_229 : memref<128x128xf32, #tpu.memory_space<vmem>>)
      %mul3A_236 = arith.constant 128 : i32
      %mul3A_237 = arith.muli %add3A_223, %mul3A_236 : i32
      %add3A_238 = arith.addi %mul3A_2, %mul3A_237 : i32
      %dma_start3A_239 = arith.constant 1 : i32
      %dma_start3A_240 = arith.constant 0 : i32
      %dma_start3A_241 = arith.constant 0 : i32
      %dma_start3A_242 = tpu.memref_slice %arg6[%dma_start3A_239, %dma_start3A_240, %dma_start3A_241] : memref<7x128x128xf32, #tpu.memory_space<vmem>> -> memref<1x128x128xf32, #tpu.memory_space<vmem>>
      %dma_start3A_243 = tpu.memref_squeeze %dma_start3A_242 : memref<1x128x128xf32, #tpu.memory_space<vmem>> -> memref<128x128xf32, #tpu.memory_space<vmem>>
      %dma_start3A_244 = arith.constant 0 : i32
      %dma_start3A_245 = tpu.memref_slice %arg4[%add3A_238, %dma_start3A_244] : memref<204800x128xf32, #tpu.memory_space<hbm>> -> memref<128x128xf32, #tpu.memory_space<hbm>>
      %dma_start3A_246 = arith.constant 0 : i32
      %dma_start3A_247 = tpu.memref_slice %arg4[%add3A_238, %dma_start3A_246] : memref<204800x128xf32, #tpu.memory_space<hbm>> -> memref<128x128xf32, #tpu.memory_space<hbm>>
      %dma_start3A_248 = arith.constant 0 : i32
      %dma_start3A_249 = arith.constant 0 : i32
      %dma_start3A_250 = tpu.memref_slice %arg6[%dma_start3A_239, %dma_start3A_248, %dma_start3A_249] : memref<7x128x128xf32, #tpu.memory_space<vmem>> -> memref<1x128x128xf32, #tpu.memory_space<vmem>>
      %dma_start3A_251 = tpu.memref_squeeze %dma_start3A_250 : memref<1x128x128xf32, #tpu.memory_space<vmem>> -> memref<128x128xf32, #tpu.memory_space<vmem>>
      tpu.enqueue_dma source(%dma_start3A_251 : memref<128x128xf32, #tpu.memory_space<vmem>>) target(%dma_start3A_247 : memref<128x128xf32, #tpu.memory_space<hbm>>) target_semaphore(%arg15 : memref<!tpu.dma_semaphore, #tpu.memory_space<semaphore_mem>>)
      %add3A_252 = arith.constant 5 : i32
      %add3A_253 = arith.addi %add3A_223, %add3A_252 : i32
      %lt3A_254 = arith.constant 50 : i32
      %lt3A_255 = arith.cmpi slt, %add3A_253, %lt3A_254 : i32
      %convert_element_type3A_256 = arith.extui %lt3A_255 : i1 to i32
      %cond3A_257 = arith.constant 0 : i32
      %cond3A_258 = arith.cmpi ne, %convert_element_type3A_256, %cond3A_257 : i32
      scf.if %cond3A_258 {
        %ge3A = arith.constant 2 : i32
        %ge3A_444 = arith.cmpi sge, %add3A_223, %ge3A : i32
        %convert_element_type3A_445 = arith.extui %ge3A_444 : i1 to i32
        %cond3A_446 = arith.constant 0 : i32
        %cond3A_447 = arith.cmpi ne, %convert_element_type3A_445, %cond3A_446 : i32
        scf.if %cond3A_447 {
          %dma_wait3A_461 = arith.constant 6 : i32
          %dma_wait3A_462 = arith.constant 0 : i32
          %dma_wait3A_463 = arith.constant 0 : i32
          %dma_wait3A_464 = tpu.memref_slice %arg6[%dma_wait3A_461, %dma_wait3A_462, %dma_wait3A_463] : memref<7x128x128xf32, #tpu.memory_space<vmem>> -> memref<1x128x128xf32, #tpu.memory_space<vmem>>
          %dma_wait3A_465 = tpu.memref_squeeze %dma_wait3A_464 : memref<1x128x128xf32, #tpu.memory_space<vmem>> -> memref<128x128xf32, #tpu.memory_space<vmem>>
          %dma_wait3A_466 = arith.constant 0 : i32
          %dma_wait3A_467 = tpu.memref_slice %arg4[%mul3A_2, %dma_wait3A_466] : memref<204800x128xf32, #tpu.memory_space<hbm>> -> memref<128x128xf32, #tpu.memory_space<hbm>>
          %dma_wait3A_468 = arith.constant 0 : i32
          %dma_wait3A_469 = tpu.memref_slice %arg4[%mul3A_2, %dma_wait3A_468] : memref<204800x128xf32, #tpu.memory_space<hbm>> -> memref<128x128xf32, #tpu.memory_space<hbm>>
          %dma_wait3A_470 = arith.constant 0 : i32
          %dma_wait3A_471 = arith.constant 0 : i32
          %dma_wait3A_472 = tpu.memref_slice %arg6[%dma_wait3A_461, %dma_wait3A_470, %dma_wait3A_471] : memref<7x128x128xf32, #tpu.memory_space<vmem>> -> memref<1x128x128xf32, #tpu.memory_space<vmem>>
          %dma_wait3A_473 = tpu.memref_squeeze %dma_wait3A_472 : memref<1x128x128xf32, #tpu.memory_space<vmem>> -> memref<128x128xf32, #tpu.memory_space<vmem>>
          tpu.wait_dma2 semaphore(%arg20 : memref<!tpu.dma_semaphore, #tpu.memory_space<semaphore_mem>>) src(%dma_wait3A_473 : memref<128x128xf32, #tpu.memory_space<vmem>>) dst(%dma_wait3A_469 : memref<128x128xf32, #tpu.memory_space<hbm>>)
        } else {
        }
        %add3A_448 = arith.constant 5 : i32
        %add3A_449 = arith.addi %add3A_223, %add3A_448 : i32
        %dma_start3A_450 = arith.constant 6 : i32
        %dma_start3A_451 = arith.constant 0 : i32
        %dma_start3A_452 = arith.constant 0 : i32
        %dma_start3A_453 = tpu.memref_slice %arg6[%dma_start3A_450, %dma_start3A_451, %dma_start3A_452] : memref<7x128x128xf32, #tpu.memory_space<vmem>> -> memref<1x128x128xf32, #tpu.memory_space<vmem>>
        %dma_start3A_454 = tpu.memref_squeeze %dma_start3A_453 : memref<1x128x128xf32, #tpu.memory_space<vmem>> -> memref<128x128xf32, #tpu.memory_space<vmem>>
        %dma_start3A_455 = arith.constant 0 : i32
        %dma_start3A_456 = tpu.memref_slice %arg5[%add3A_449, %dma_start3A_455] : memref<50x128xi32, #tpu.memory_space<vmem>> -> memref<1x128xi32, #tpu.memory_space<vmem>>
        %dma_start3A_457 = tpu.memref_squeeze %dma_start3A_456 : memref<1x128xi32, #tpu.memory_space<vmem>> -> memref<128xi32, #tpu.memory_space<vmem>>
        %dma_start3A_458 = arith.constant 0 : i32
        %dma_start3A_459 = arith.constant 0 : i32
        %dma_start3A_460 = tpu.memref_slice %arg3[%dma_start3A_458, %dma_start3A_459] : memref<100000x128xf32, #tpu.memory_space<hbm>> -> memref<100000x128xf32, #tpu.memory_space<hbm>>
        tpu.enqueue_indirect_dma source(%dma_start3A_460 : memref<100000x128xf32, #tpu.memory_space<hbm>>) target(%dma_start3A_454 : memref<128x128xf32, #tpu.memory_space<vmem>>) offsets(%dma_start3A_457 : memref<128xi32, #tpu.memory_space<vmem>>) semaphore(%arg13 : memref<!tpu.dma_semaphore, #tpu.memory_space<semaphore_mem>>)
      } else {
      }
      %add3A_259 = arith.constant 2 : i32
      %add3A_260 = arith.addi %add3A_187, %add3A_259 : i32
      %dma_wait3A_261 = arith.constant 0 : i32
      %dma_wait3A_262 = arith.constant 2 : i32
      %dma_wait3A_263 = arith.constant 0 : i32
      %dma_wait3A_264 = arith.constant 0 : i32
      %dma_wait3A_265 = tpu.memref_slice %arg6[%dma_wait3A_262, %dma_wait3A_263, %dma_wait3A_264] : memref<7x128x128xf32, #tpu.memory_space<vmem>> -> memref<1x128x128xf32, #tpu.memory_space<vmem>>
      %dma_wait3A_266 = tpu.memref_squeeze %dma_wait3A_265 : memref<1x128x128xf32, #tpu.memory_space<vmem>> -> memref<128x128xf32, #tpu.memory_space<vmem>>
      %dma_wait3A_267 = arith.constant 0 : i32
      %dma_wait3A_268 = tpu.memref_slice %arg5[%dma_wait3A_261, %dma_wait3A_267] : memref<50x128xi32, #tpu.memory_space<vmem>> -> memref<1x128xi32, #tpu.memory_space<vmem>>
      %dma_wait3A_269 = tpu.memref_squeeze %dma_wait3A_268 : memref<1x128xi32, #tpu.memory_space<vmem>> -> memref<128xi32, #tpu.memory_space<vmem>>
      %dma_wait3A_270 = arith.constant 0 : i32
      %dma_wait3A_271 = arith.constant 0 : i32
      %dma_wait3A_272 = tpu.memref_slice %arg3[%dma_wait3A_270, %dma_wait3A_271] : memref<100000x128xf32, #tpu.memory_space<hbm>> -> memref<100000x128xf32, #tpu.memory_space<hbm>>
      tpu.wait_indirect_dma semaphore(%arg9 : memref<!tpu.dma_semaphore, #tpu.memory_space<semaphore_mem>>) src(%dma_wait3A_272 : memref<100000x128xf32, #tpu.memory_space<hbm>>) dst(%dma_wait3A_266 : memref<128x128xf32, #tpu.memory_space<vmem>>)
      %mul3A_273 = arith.constant 128 : i32
      %mul3A_274 = arith.muli %add3A_260, %mul3A_273 : i32
      %add3A_275 = arith.addi %mul3A_2, %mul3A_274 : i32
      %dma_start3A_276 = arith.constant 2 : i32
      %dma_start3A_277 = arith.constant 0 : i32
      %dma_start3A_278 = arith.constant 0 : i32
      %dma_start3A_279 = tpu.memref_slice %arg6[%dma_start3A_276, %dma_start3A_277, %dma_start3A_278] : memref<7x128x128xf32, #tpu.memory_space<vmem>> -> memref<1x128x128xf32, #tpu.memory_space<vmem>>
      %dma_start3A_280 = tpu.memref_squeeze %dma_start3A_279 : memref<1x128x128xf32, #tpu.memory_space<vmem>> -> memref<128x128xf32, #tpu.memory_space<vmem>>
      %dma_start3A_281 = arith.constant 0 : i32
      %dma_start3A_282 = tpu.memref_slice %arg4[%add3A_275, %dma_start3A_281] : memref<204800x128xf32, #tpu.memory_space<hbm>> -> memref<128x128xf32, #tpu.memory_space<hbm>>
      %dma_start3A_283 = arith.constant 0 : i32
      %dma_start3A_284 = tpu.memref_slice %arg4[%add3A_275, %dma_start3A_283] : memref<204800x128xf32, #tpu.memory_space<hbm>> -> memref<128x128xf32, #tpu.memory_space<hbm>>
      %dma_start3A_285 = arith.constant 0 : i32
      %dma_start3A_286 = arith.constant 0 : i32
      %dma_start3A_287 = tpu.memref_slice %arg6[%dma_start3A_276, %dma_start3A_285, %dma_start3A_286] : memref<7x128x128xf32, #tpu.memory_space<vmem>> -> memref<1x128x128xf32, #tpu.memory_space<vmem>>
      %dma_start3A_288 = tpu.memref_squeeze %dma_start3A_287 : memref<1x128x128xf32, #tpu.memory_space<vmem>> -> memref<128x128xf32, #tpu.memory_space<vmem>>
      tpu.enqueue_dma source(%dma_start3A_288 : memref<128x128xf32, #tpu.memory_space<vmem>>) target(%dma_start3A_284 : memref<128x128xf32, #tpu.memory_space<hbm>>) target_semaphore(%arg16 : memref<!tpu.dma_semaphore, #tpu.memory_space<semaphore_mem>>)
      %add3A_289 = arith.constant 5 : i32
      %add3A_290 = arith.addi %add3A_260, %add3A_289 : i32
      %lt3A_291 = arith.constant 50 : i32
      %lt3A_292 = arith.cmpi slt, %add3A_290, %lt3A_291 : i32
      %convert_element_type3A_293 = arith.extui %lt3A_292 : i1 to i32
      %cond3A_294 = arith.constant 0 : i32
      %cond3A_295 = arith.cmpi ne, %convert_element_type3A_293, %cond3A_294 : i32
      scf.if %cond3A_295 {
        %ge3A = arith.constant 2 : i32
        %ge3A_444 = arith.cmpi sge, %add3A_260, %ge3A : i32
        %convert_element_type3A_445 = arith.extui %ge3A_444 : i1 to i32
        %cond3A_446 = arith.constant 0 : i32
        %cond3A_447 = arith.cmpi ne, %convert_element_type3A_445, %cond3A_446 : i32
        scf.if %cond3A_447 {
          %dma_wait3A_461 = arith.constant 0 : i32
          %dma_wait3A_462 = arith.constant 0 : i32
          %dma_wait3A_463 = arith.constant 0 : i32
          %dma_wait3A_464 = tpu.memref_slice %arg6[%dma_wait3A_461, %dma_wait3A_462, %dma_wait3A_463] : memref<7x128x128xf32, #tpu.memory_space<vmem>> -> memref<1x128x128xf32, #tpu.memory_space<vmem>>
          %dma_wait3A_465 = tpu.memref_squeeze %dma_wait3A_464 : memref<1x128x128xf32, #tpu.memory_space<vmem>> -> memref<128x128xf32, #tpu.memory_space<vmem>>
          %dma_wait3A_466 = arith.constant 0 : i32
          %dma_wait3A_467 = tpu.memref_slice %arg4[%mul3A_2, %dma_wait3A_466] : memref<204800x128xf32, #tpu.memory_space<hbm>> -> memref<128x128xf32, #tpu.memory_space<hbm>>
          %dma_wait3A_468 = arith.constant 0 : i32
          %dma_wait3A_469 = tpu.memref_slice %arg4[%mul3A_2, %dma_wait3A_468] : memref<204800x128xf32, #tpu.memory_space<hbm>> -> memref<128x128xf32, #tpu.memory_space<hbm>>
          %dma_wait3A_470 = arith.constant 0 : i32
          %dma_wait3A_471 = arith.constant 0 : i32
          %dma_wait3A_472 = tpu.memref_slice %arg6[%dma_wait3A_461, %dma_wait3A_470, %dma_wait3A_471] : memref<7x128x128xf32, #tpu.memory_space<vmem>> -> memref<1x128x128xf32, #tpu.memory_space<vmem>>
          %dma_wait3A_473 = tpu.memref_squeeze %dma_wait3A_472 : memref<1x128x128xf32, #tpu.memory_space<vmem>> -> memref<128x128xf32, #tpu.memory_space<vmem>>
          tpu.wait_dma2 semaphore(%arg14 : memref<!tpu.dma_semaphore, #tpu.memory_space<semaphore_mem>>) src(%dma_wait3A_473 : memref<128x128xf32, #tpu.memory_space<vmem>>) dst(%dma_wait3A_469 : memref<128x128xf32, #tpu.memory_space<hbm>>)
        } else {
        }
        %add3A_448 = arith.constant 5 : i32
        %add3A_449 = arith.addi %add3A_260, %add3A_448 : i32
        %dma_start3A_450 = arith.constant 0 : i32
        %dma_start3A_451 = arith.constant 0 : i32
        %dma_start3A_452 = arith.constant 0 : i32
        %dma_start3A_453 = tpu.memref_slice %arg6[%dma_start3A_450, %dma_start3A_451, %dma_start3A_452] : memref<7x128x128xf32, #tpu.memory_space<vmem>> -> memref<1x128x128xf32, #tpu.memory_space<vmem>>
        %dma_start3A_454 = tpu.memref_squeeze %dma_start3A_453 : memref<1x128x128xf32, #tpu.memory_space<vmem>> -> memref<128x128xf32, #tpu.memory_space<vmem>>
        %dma_start3A_455 = arith.constant 0 : i32
        %dma_start3A_456 = tpu.memref_slice %arg5[%add3A_449, %dma_start3A_455] : memref<50x128xi32, #tpu.memory_space<vmem>> -> memref<1x128xi32, #tpu.memory_space<vmem>>
        %dma_start3A_457 = tpu.memref_squeeze %dma_start3A_456 : memref<1x128xi32, #tpu.memory_space<vmem>> -> memref<128xi32, #tpu.memory_space<vmem>>
        %dma_start3A_458 = arith.constant 0 : i32
        %dma_start3A_459 = arith.constant 0 : i32
        %dma_start3A_460 = tpu.memref_slice %arg3[%dma_start3A_458, %dma_start3A_459] : memref<100000x128xf32, #tpu.memory_space<hbm>> -> memref<100000x128xf32, #tpu.memory_space<hbm>>
        tpu.enqueue_indirect_dma source(%dma_start3A_460 : memref<100000x128xf32, #tpu.memory_space<hbm>>) target(%dma_start3A_454 : memref<128x128xf32, #tpu.memory_space<vmem>>) offsets(%dma_start3A_457 : memref<128xi32, #tpu.memory_space<vmem>>) semaphore(%arg7 : memref<!tpu.dma_semaphore, #tpu.memory_space<semaphore_mem>>)
      } else {
      }
      %add3A_296 = arith.constant 3 : i32
      %add3A_297 = arith.addi %add3A_187, %add3A_296 : i32
      %dma_wait3A_298 = arith.constant 0 : i32
      %dma_wait3A_299 = arith.constant 3 : i32
      %dma_wait3A_300 = arith.constant 0 : i32
      %dma_wait3A_301 = arith.constant 0 : i32
      %dma_wait3A_302 = tpu.memref_slice %arg6[%dma_wait3A_299, %dma_wait3A_300, %dma_wait3A_301] : memref<7x128x128xf32, #tpu.memory_space<vmem>> -> memref<1x128x128xf32, #tpu.memory_space<vmem>>
      %dma_wait3A_303 = tpu.memref_squeeze %dma_wait3A_302 : memref<1x128x128xf32, #tpu.memory_space<vmem>> -> memref<128x128xf32, #tpu.memory_space<vmem>>
      %dma_wait3A_304 = arith.constant 0 : i32
      %dma_wait3A_305 = tpu.memref_slice %arg5[%dma_wait3A_298, %dma_wait3A_304] : memref<50x128xi32, #tpu.memory_space<vmem>> -> memref<1x128xi32, #tpu.memory_space<vmem>>
      %dma_wait3A_306 = tpu.memref_squeeze %dma_wait3A_305 : memref<1x128xi32, #tpu.memory_space<vmem>> -> memref<128xi32, #tpu.memory_space<vmem>>
      %dma_wait3A_307 = arith.constant 0 : i32
      %dma_wait3A_308 = arith.constant 0 : i32
      %dma_wait3A_309 = tpu.memref_slice %arg3[%dma_wait3A_307, %dma_wait3A_308] : memref<100000x128xf32, #tpu.memory_space<hbm>> -> memref<100000x128xf32, #tpu.memory_space<hbm>>
      tpu.wait_indirect_dma semaphore(%arg10 : memref<!tpu.dma_semaphore, #tpu.memory_space<semaphore_mem>>) src(%dma_wait3A_309 : memref<100000x128xf32, #tpu.memory_space<hbm>>) dst(%dma_wait3A_303 : memref<128x128xf32, #tpu.memory_space<vmem>>)
      %mul3A_310 = arith.constant 128 : i32
      %mul3A_311 = arith.muli %add3A_297, %mul3A_310 : i32
      %add3A_312 = arith.addi %mul3A_2, %mul3A_311 : i32
      %dma_start3A_313 = arith.constant 3 : i32
      %dma_start3A_314 = arith.constant 0 : i32
      %dma_start3A_315 = arith.constant 0 : i32
      %dma_start3A_316 = tpu.memref_slice %arg6[%dma_start3A_313, %dma_start3A_314, %dma_start3A_315] : memref<7x128x128xf32, #tpu.memory_space<vmem>> -> memref<1x128x128xf32, #tpu.memory_space<vmem>>
      %dma_start3A_317 = tpu.memref_squeeze %dma_start3A_316 : memref<1x128x128xf32, #tpu.memory_space<vmem>> -> memref<128x128xf32, #tpu.memory_space<vmem>>
      %dma_start3A_318 = arith.constant 0 : i32
      %dma_start3A_319 = tpu.memref_slice %arg4[%add3A_312, %dma_start3A_318] : memref<204800x128xf32, #tpu.memory_space<hbm>> -> memref<128x128xf32, #tpu.memory_space<hbm>>
      %dma_start3A_320 = arith.constant 0 : i32
      %dma_start3A_321 = tpu.memref_slice %arg4[%add3A_312, %dma_start3A_320] : memref<204800x128xf32, #tpu.memory_space<hbm>> -> memref<128x128xf32, #tpu.memory_space<hbm>>
      %dma_start3A_322 = arith.constant 0 : i32
      %dma_start3A_323 = arith.constant 0 : i32
      %dma_start3A_324 = tpu.memref_slice %arg6[%dma_start3A_313, %dma_start3A_322, %dma_start3A_323] : memref<7x128x128xf32, #tpu.memory_space<vmem>> -> memref<1x128x128xf32, #tpu.memory_space<vmem>>
      %dma_start3A_325 = tpu.memref_squeeze %dma_start3A_324 : memref<1x128x128xf32, #tpu.memory_space<vmem>> -> memref<128x128xf32, #tpu.memory_space<vmem>>
      tpu.enqueue_dma source(%dma_start3A_325 : memref<128x128xf32, #tpu.memory_space<vmem>>) target(%dma_start3A_321 : memref<128x128xf32, #tpu.memory_space<hbm>>) target_semaphore(%arg17 : memref<!tpu.dma_semaphore, #tpu.memory_space<semaphore_mem>>)
      %add3A_326 = arith.constant 5 : i32
      %add3A_327 = arith.addi %add3A_297, %add3A_326 : i32
      %lt3A_328 = arith.constant 50 : i32
      %lt3A_329 = arith.cmpi slt, %add3A_327, %lt3A_328 : i32
      %convert_element_type3A_330 = arith.extui %lt3A_329 : i1 to i32
      %cond3A_331 = arith.constant 0 : i32
      %cond3A_332 = arith.cmpi ne, %convert_element_type3A_330, %cond3A_331 : i32
      scf.if %cond3A_332 {
        %ge3A = arith.constant 2 : i32
        %ge3A_444 = arith.cmpi sge, %add3A_297, %ge3A : i32
        %convert_element_type3A_445 = arith.extui %ge3A_444 : i1 to i32
        %cond3A_446 = arith.constant 0 : i32
        %cond3A_447 = arith.cmpi ne, %convert_element_type3A_445, %cond3A_446 : i32
        scf.if %cond3A_447 {
          %dma_wait3A_461 = arith.constant 1 : i32
          %dma_wait3A_462 = arith.constant 0 : i32
          %dma_wait3A_463 = arith.constant 0 : i32
          %dma_wait3A_464 = tpu.memref_slice %arg6[%dma_wait3A_461, %dma_wait3A_462, %dma_wait3A_463] : memref<7x128x128xf32, #tpu.memory_space<vmem>> -> memref<1x128x128xf32, #tpu.memory_space<vmem>>
          %dma_wait3A_465 = tpu.memref_squeeze %dma_wait3A_464 : memref<1x128x128xf32, #tpu.memory_space<vmem>> -> memref<128x128xf32, #tpu.memory_space<vmem>>
          %dma_wait3A_466 = arith.constant 0 : i32
          %dma_wait3A_467 = tpu.memref_slice %arg4[%mul3A_2, %dma_wait3A_466] : memref<204800x128xf32, #tpu.memory_space<hbm>> -> memref<128x128xf32, #tpu.memory_space<hbm>>
          %dma_wait3A_468 = arith.constant 0 : i32
          %dma_wait3A_469 = tpu.memref_slice %arg4[%mul3A_2, %dma_wait3A_468] : memref<204800x128xf32, #tpu.memory_space<hbm>> -> memref<128x128xf32, #tpu.memory_space<hbm>>
          %dma_wait3A_470 = arith.constant 0 : i32
          %dma_wait3A_471 = arith.constant 0 : i32
          %dma_wait3A_472 = tpu.memref_slice %arg6[%dma_wait3A_461, %dma_wait3A_470, %dma_wait3A_471] : memref<7x128x128xf32, #tpu.memory_space<vmem>> -> memref<1x128x128xf32, #tpu.memory_space<vmem>>
          %dma_wait3A_473 = tpu.memref_squeeze %dma_wait3A_472 : memref<1x128x128xf32, #tpu.memory_space<vmem>> -> memref<128x128xf32, #tpu.memory_space<vmem>>
          tpu.wait_dma2 semaphore(%arg15 : memref<!tpu.dma_semaphore, #tpu.memory_space<semaphore_mem>>) src(%dma_wait3A_473 : memref<128x128xf32, #tpu.memory_space<vmem>>) dst(%dma_wait3A_469 : memref<128x128xf32, #tpu.memory_space<hbm>>)
        } else {
        }
        %add3A_448 = arith.constant 5 : i32
        %add3A_449 = arith.addi %add3A_297, %add3A_448 : i32
        %dma_start3A_450 = arith.constant 1 : i32
        %dma_start3A_451 = arith.constant 0 : i32
        %dma_start3A_452 = arith.constant 0 : i32
        %dma_start3A_453 = tpu.memref_slice %arg6[%dma_start3A_450, %dma_start3A_451, %dma_start3A_452] : memref<7x128x128xf32, #tpu.memory_space<vmem>> -> memref<1x128x128xf32, #tpu.memory_space<vmem>>
        %dma_start3A_454 = tpu.memref_squeeze %dma_start3A_453 : memref<1x128x128xf32, #tpu.memory_space<vmem>> -> memref<128x128xf32, #tpu.memory_space<vmem>>
        %dma_start3A_455 = arith.constant 0 : i32
        %dma_start3A_456 = tpu.memref_slice %arg5[%add3A_449, %dma_start3A_455] : memref<50x128xi32, #tpu.memory_space<vmem>> -> memref<1x128xi32, #tpu.memory_space<vmem>>
        %dma_start3A_457 = tpu.memref_squeeze %dma_start3A_456 : memref<1x128xi32, #tpu.memory_space<vmem>> -> memref<128xi32, #tpu.memory_space<vmem>>
        %dma_start3A_458 = arith.constant 0 : i32
        %dma_start3A_459 = arith.constant 0 : i32
        %dma_start3A_460 = tpu.memref_slice %arg3[%dma_start3A_458, %dma_start3A_459] : memref<100000x128xf32, #tpu.memory_space<hbm>> -> memref<100000x128xf32, #tpu.memory_space<hbm>>
        tpu.enqueue_indirect_dma source(%dma_start3A_460 : memref<100000x128xf32, #tpu.memory_space<hbm>>) target(%dma_start3A_454 : memref<128x128xf32, #tpu.memory_space<vmem>>) offsets(%dma_start3A_457 : memref<128xi32, #tpu.memory_space<vmem>>) semaphore(%arg8 : memref<!tpu.dma_semaphore, #tpu.memory_space<semaphore_mem>>)
      } else {
      }
      %add3A_333 = arith.constant 4 : i32
      %add3A_334 = arith.addi %add3A_187, %add3A_333 : i32
      %dma_wait3A_335 = arith.constant 0 : i32
      %dma_wait3A_336 = arith.constant 4 : i32
      %dma_wait3A_337 = arith.constant 0 : i32
      %dma_wait3A_338 = arith.constant 0 : i32
      %dma_wait3A_339 = tpu.memref_slice %arg6[%dma_wait3A_336, %dma_wait3A_337, %dma_wait3A_338] : memref<7x128x128xf32, #tpu.memory_space<vmem>> -> memref<1x128x128xf32, #tpu.memory_space<vmem>>
      %dma_wait3A_340 = tpu.memref_squeeze %dma_wait3A_339 : memref<1x128x128xf32, #tpu.memory_space<vmem>> -> memref<128x128xf32, #tpu.memory_space<vmem>>
      %dma_wait3A_341 = arith.constant 0 : i32
      %dma_wait3A_342 = tpu.memref_slice %arg5[%dma_wait3A_335, %dma_wait3A_341] : memref<50x128xi32, #tpu.memory_space<vmem>> -> memref<1x128xi32, #tpu.memory_space<vmem>>
      %dma_wait3A_343 = tpu.memref_squeeze %dma_wait3A_342 : memref<1x128xi32, #tpu.memory_space<vmem>> -> memref<128xi32, #tpu.memory_space<vmem>>
      %dma_wait3A_344 = arith.constant 0 : i32
      %dma_wait3A_345 = arith.constant 0 : i32
      %dma_wait3A_346 = tpu.memref_slice %arg3[%dma_wait3A_344, %dma_wait3A_345] : memref<100000x128xf32, #tpu.memory_space<hbm>> -> memref<100000x128xf32, #tpu.memory_space<hbm>>
      tpu.wait_indirect_dma semaphore(%arg11 : memref<!tpu.dma_semaphore, #tpu.memory_space<semaphore_mem>>) src(%dma_wait3A_346 : memref<100000x128xf32, #tpu.memory_space<hbm>>) dst(%dma_wait3A_340 : memref<128x128xf32, #tpu.memory_space<vmem>>)
      %mul3A_347 = arith.constant 128 : i32
      %mul3A_348 = arith.muli %add3A_334, %mul3A_347 : i32
      %add3A_349 = arith.addi %mul3A_2, %mul3A_348 : i32
      %dma_start3A_350 = arith.constant 4 : i32
      %dma_start3A_351 = arith.constant 0 : i32
      %dma_start3A_352 = arith.constant 0 : i32
      %dma_start3A_353 = tpu.memref_slice %arg6[%dma_start3A_350, %dma_start3A_351, %dma_start3A_352] : memref<7x128x128xf32, #tpu.memory_space<vmem>> -> memref<1x128x128xf32, #tpu.memory_space<vmem>>
      %dma_start3A_354 = tpu.memref_squeeze %dma_start3A_353 : memref<1x128x128xf32, #tpu.memory_space<vmem>> -> memref<128x128xf32, #tpu.memory_space<vmem>>
      %dma_start3A_355 = arith.constant 0 : i32
      %dma_start3A_356 = tpu.memref_slice %arg4[%add3A_349, %dma_start3A_355] : memref<204800x128xf32, #tpu.memory_space<hbm>> -> memref<128x128xf32, #tpu.memory_space<hbm>>
      %dma_start3A_357 = arith.constant 0 : i32
      %dma_start3A_358 = tpu.memref_slice %arg4[%add3A_349, %dma_start3A_357] : memref<204800x128xf32, #tpu.memory_space<hbm>> -> memref<128x128xf32, #tpu.memory_space<hbm>>
      %dma_start3A_359 = arith.constant 0 : i32
      %dma_start3A_360 = arith.constant 0 : i32
      %dma_start3A_361 = tpu.memref_slice %arg6[%dma_start3A_350, %dma_start3A_359, %dma_start3A_360] : memref<7x128x128xf32, #tpu.memory_space<vmem>> -> memref<1x128x128xf32, #tpu.memory_space<vmem>>
      %dma_start3A_362 = tpu.memref_squeeze %dma_start3A_361 : memref<1x128x128xf32, #tpu.memory_space<vmem>> -> memref<128x128xf32, #tpu.memory_space<vmem>>
      tpu.enqueue_dma source(%dma_start3A_362 : memref<128x128xf32, #tpu.memory_space<vmem>>) target(%dma_start3A_358 : memref<128x128xf32, #tpu.memory_space<hbm>>) target_semaphore(%arg18 : memref<!tpu.dma_semaphore, #tpu.memory_space<semaphore_mem>>)
      %add3A_363 = arith.constant 5 : i32
      %add3A_364 = arith.addi %add3A_334, %add3A_363 : i32
      %lt3A_365 = arith.constant 50 : i32
      %lt3A_366 = arith.cmpi slt, %add3A_364, %lt3A_365 : i32
      %convert_element_type3A_367 = arith.extui %lt3A_366 : i1 to i32
      %cond3A_368 = arith.constant 0 : i32
      %cond3A_369 = arith.cmpi ne, %convert_element_type3A_367, %cond3A_368 : i32
      scf.if %cond3A_369 {
        %ge3A = arith.constant 2 : i32
        %ge3A_444 = arith.cmpi sge, %add3A_334, %ge3A : i32
        %convert_element_type3A_445 = arith.extui %ge3A_444 : i1 to i32
        %cond3A_446 = arith.constant 0 : i32
        %cond3A_447 = arith.cmpi ne, %convert_element_type3A_445, %cond3A_446 : i32
        scf.if %cond3A_447 {
          %dma_wait3A_461 = arith.constant 2 : i32
          %dma_wait3A_462 = arith.constant 0 : i32
          %dma_wait3A_463 = arith.constant 0 : i32
          %dma_wait3A_464 = tpu.memref_slice %arg6[%dma_wait3A_461, %dma_wait3A_462, %dma_wait3A_463] : memref<7x128x128xf32, #tpu.memory_space<vmem>> -> memref<1x128x128xf32, #tpu.memory_space<vmem>>
          %dma_wait3A_465 = tpu.memref_squeeze %dma_wait3A_464 : memref<1x128x128xf32, #tpu.memory_space<vmem>> -> memref<128x128xf32, #tpu.memory_space<vmem>>
          %dma_wait3A_466 = arith.constant 0 : i32
          %dma_wait3A_467 = tpu.memref_slice %arg4[%mul3A_2, %dma_wait3A_466] : memref<204800x128xf32, #tpu.memory_space<hbm>> -> memref<128x128xf32, #tpu.memory_space<hbm>>
          %dma_wait3A_468 = arith.constant 0 : i32
          %dma_wait3A_469 = tpu.memref_slice %arg4[%mul3A_2, %dma_wait3A_468] : memref<204800x128xf32, #tpu.memory_space<hbm>> -> memref<128x128xf32, #tpu.memory_space<hbm>>
          %dma_wait3A_470 = arith.constant 0 : i32
          %dma_wait3A_471 = arith.constant 0 : i32
          %dma_wait3A_472 = tpu.memref_slice %arg6[%dma_wait3A_461, %dma_wait3A_470, %dma_wait3A_471] : memref<7x128x128xf32, #tpu.memory_space<vmem>> -> memref<1x128x128xf32, #tpu.memory_space<vmem>>
          %dma_wait3A_473 = tpu.memref_squeeze %dma_wait3A_472 : memref<1x128x128xf32, #tpu.memory_space<vmem>> -> memref<128x128xf32, #tpu.memory_space<vmem>>
          tpu.wait_dma2 semaphore(%arg16 : memref<!tpu.dma_semaphore, #tpu.memory_space<semaphore_mem>>) src(%dma_wait3A_473 : memref<128x128xf32, #tpu.memory_space<vmem>>) dst(%dma_wait3A_469 : memref<128x128xf32, #tpu.memory_space<hbm>>)
        } else {
        }
        %add3A_448 = arith.constant 5 : i32
        %add3A_449 = arith.addi %add3A_334, %add3A_448 : i32
        %dma_start3A_450 = arith.constant 2 : i32
        %dma_start3A_451 = arith.constant 0 : i32
        %dma_start3A_452 = arith.constant 0 : i32
        %dma_start3A_453 = tpu.memref_slice %arg6[%dma_start3A_450, %dma_start3A_451, %dma_start3A_452] : memref<7x128x128xf32, #tpu.memory_space<vmem>> -> memref<1x128x128xf32, #tpu.memory_space<vmem>>
        %dma_start3A_454 = tpu.memref_squeeze %dma_start3A_453 : memref<1x128x128xf32, #tpu.memory_space<vmem>> -> memref<128x128xf32, #tpu.memory_space<vmem>>
        %dma_start3A_455 = arith.constant 0 : i32
        %dma_start3A_456 = tpu.memref_slice %arg5[%add3A_449, %dma_start3A_455] : memref<50x128xi32, #tpu.memory_space<vmem>> -> memref<1x128xi32, #tpu.memory_space<vmem>>
        %dma_start3A_457 = tpu.memref_squeeze %dma_start3A_456 : memref<1x128xi32, #tpu.memory_space<vmem>> -> memref<128xi32, #tpu.memory_space<vmem>>
        %dma_start3A_458 = arith.constant 0 : i32
        %dma_start3A_459 = arith.constant 0 : i32
        %dma_start3A_460 = tpu.memref_slice %arg3[%dma_start3A_458, %dma_start3A_459] : memref<100000x128xf32, #tpu.memory_space<hbm>> -> memref<100000x128xf32, #tpu.memory_space<hbm>>
        tpu.enqueue_indirect_dma source(%dma_start3A_460 : memref<100000x128xf32, #tpu.memory_space<hbm>>) target(%dma_start3A_454 : memref<128x128xf32, #tpu.memory_space<vmem>>) offsets(%dma_start3A_457 : memref<128xi32, #tpu.memory_space<vmem>>) semaphore(%arg9 : memref<!tpu.dma_semaphore, #tpu.memory_space<semaphore_mem>>)
      } else {
      }
      %add3A_370 = arith.constant 5 : i32
      %add3A_371 = arith.addi %add3A_187, %add3A_370 : i32
      %dma_wait3A_372 = arith.constant 0 : i32
      %dma_wait3A_373 = arith.constant 5 : i32
      %dma_wait3A_374 = arith.constant 0 : i32
      %dma_wait3A_375 = arith.constant 0 : i32
      %dma_wait3A_376 = tpu.memref_slice %arg6[%dma_wait3A_373, %dma_wait3A_374, %dma_wait3A_375] : memref<7x128x128xf32, #tpu.memory_space<vmem>> -> memref<1x128x128xf32, #tpu.memory_space<vmem>>
      %dma_wait3A_377 = tpu.memref_squeeze %dma_wait3A_376 : memref<1x128x128xf32, #tpu.memory_space<vmem>> -> memref<128x128xf32, #tpu.memory_space<vmem>>
      %dma_wait3A_378 = arith.constant 0 : i32
      %dma_wait3A_379 = tpu.memref_slice %arg5[%dma_wait3A_372, %dma_wait3A_378] : memref<50x128xi32, #tpu.memory_space<vmem>> -> memref<1x128xi32, #tpu.memory_space<vmem>>
      %dma_wait3A_380 = tpu.memref_squeeze %dma_wait3A_379 : memref<1x128xi32, #tpu.memory_space<vmem>> -> memref<128xi32, #tpu.memory_space<vmem>>
      %dma_wait3A_381 = arith.constant 0 : i32
      %dma_wait3A_382 = arith.constant 0 : i32
      %dma_wait3A_383 = tpu.memref_slice %arg3[%dma_wait3A_381, %dma_wait3A_382] : memref<100000x128xf32, #tpu.memory_space<hbm>> -> memref<100000x128xf32, #tpu.memory_space<hbm>>
      tpu.wait_indirect_dma semaphore(%arg12 : memref<!tpu.dma_semaphore, #tpu.memory_space<semaphore_mem>>) src(%dma_wait3A_383 : memref<100000x128xf32, #tpu.memory_space<hbm>>) dst(%dma_wait3A_377 : memref<128x128xf32, #tpu.memory_space<vmem>>)
      %mul3A_384 = arith.constant 128 : i32
      %mul3A_385 = arith.muli %add3A_371, %mul3A_384 : i32
      %add3A_386 = arith.addi %mul3A_2, %mul3A_385 : i32
      %dma_start3A_387 = arith.constant 5 : i32
      %dma_start3A_388 = arith.constant 0 : i32
      %dma_start3A_389 = arith.constant 0 : i32
      %dma_start3A_390 = tpu.memref_slice %arg6[%dma_start3A_387, %dma_start3A_388, %dma_start3A_389] : memref<7x128x128xf32, #tpu.memory_space<vmem>> -> memref<1x128x128xf32, #tpu.memory_space<vmem>>
      %dma_start3A_391 = tpu.memref_squeeze %dma_start3A_390 : memref<1x128x128xf32, #tpu.memory_space<vmem>> -> memref<128x128xf32, #tpu.memory_space<vmem>>
      %dma_start3A_392 = arith.constant 0 : i32
      %dma_start3A_393 = tpu.memref_slice %arg4[%add3A_386, %dma_start3A_392] : memref<204800x128xf32, #tpu.memory_space<hbm>> -> memref<128x128xf32, #tpu.memory_space<hbm>>
      %dma_start3A_394 = arith.constant 0 : i32
      %dma_start3A_395 = tpu.memref_slice %arg4[%add3A_386, %dma_start3A_394] : memref<204800x128xf32, #tpu.memory_space<hbm>> -> memref<128x128xf32, #tpu.memory_space<hbm>>
      %dma_start3A_396 = arith.constant 0 : i32
      %dma_start3A_397 = arith.constant 0 : i32
      %dma_start3A_398 = tpu.memref_slice %arg6[%dma_start3A_387, %dma_start3A_396, %dma_start3A_397] : memref<7x128x128xf32, #tpu.memory_space<vmem>> -> memref<1x128x128xf32, #tpu.memory_space<vmem>>
      %dma_start3A_399 = tpu.memref_squeeze %dma_start3A_398 : memref<1x128x128xf32, #tpu.memory_space<vmem>> -> memref<128x128xf32, #tpu.memory_space<vmem>>
      tpu.enqueue_dma source(%dma_start3A_399 : memref<128x128xf32, #tpu.memory_space<vmem>>) target(%dma_start3A_395 : memref<128x128xf32, #tpu.memory_space<hbm>>) target_semaphore(%arg19 : memref<!tpu.dma_semaphore, #tpu.memory_space<semaphore_mem>>)
      %add3A_400 = arith.constant 5 : i32
      %add3A_401 = arith.addi %add3A_371, %add3A_400 : i32
      %lt3A_402 = arith.constant 50 : i32
      %lt3A_403 = arith.cmpi slt, %add3A_401, %lt3A_402 : i32
      %convert_element_type3A_404 = arith.extui %lt3A_403 : i1 to i32
      %cond3A_405 = arith.constant 0 : i32
      %cond3A_406 = arith.cmpi ne, %convert_element_type3A_404, %cond3A_405 : i32
      scf.if %cond3A_406 {
        %ge3A = arith.constant 2 : i32
        %ge3A_444 = arith.cmpi sge, %add3A_371, %ge3A : i32
        %convert_element_type3A_445 = arith.extui %ge3A_444 : i1 to i32
        %cond3A_446 = arith.constant 0 : i32
        %cond3A_447 = arith.cmpi ne, %convert_element_type3A_445, %cond3A_446 : i32
        scf.if %cond3A_447 {
          %dma_wait3A_461 = arith.constant 3 : i32
          %dma_wait3A_462 = arith.constant 0 : i32
          %dma_wait3A_463 = arith.constant 0 : i32
          %dma_wait3A_464 = tpu.memref_slice %arg6[%dma_wait3A_461, %dma_wait3A_462, %dma_wait3A_463] : memref<7x128x128xf32, #tpu.memory_space<vmem>> -> memref<1x128x128xf32, #tpu.memory_space<vmem>>
          %dma_wait3A_465 = tpu.memref_squeeze %dma_wait3A_464 : memref<1x128x128xf32, #tpu.memory_space<vmem>> -> memref<128x128xf32, #tpu.memory_space<vmem>>
          %dma_wait3A_466 = arith.constant 0 : i32
          %dma_wait3A_467 = tpu.memref_slice %arg4[%mul3A_2, %dma_wait3A_466] : memref<204800x128xf32, #tpu.memory_space<hbm>> -> memref<128x128xf32, #tpu.memory_space<hbm>>
          %dma_wait3A_468 = arith.constant 0 : i32
          %dma_wait3A_469 = tpu.memref_slice %arg4[%mul3A_2, %dma_wait3A_468] : memref<204800x128xf32, #tpu.memory_space<hbm>> -> memref<128x128xf32, #tpu.memory_space<hbm>>
          %dma_wait3A_470 = arith.constant 0 : i32
          %dma_wait3A_471 = arith.constant 0 : i32
          %dma_wait3A_472 = tpu.memref_slice %arg6[%dma_wait3A_461, %dma_wait3A_470, %dma_wait3A_471] : memref<7x128x128xf32, #tpu.memory_space<vmem>> -> memref<1x128x128xf32, #tpu.memory_space<vmem>>
          %dma_wait3A_473 = tpu.memref_squeeze %dma_wait3A_472 : memref<1x128x128xf32, #tpu.memory_space<vmem>> -> memref<128x128xf32, #tpu.memory_space<vmem>>
          tpu.wait_dma2 semaphore(%arg17 : memref<!tpu.dma_semaphore, #tpu.memory_space<semaphore_mem>>) src(%dma_wait3A_473 : memref<128x128xf32, #tpu.memory_space<vmem>>) dst(%dma_wait3A_469 : memref<128x128xf32, #tpu.memory_space<hbm>>)
        } else {
        }
        %add3A_448 = arith.constant 5 : i32
        %add3A_449 = arith.addi %add3A_371, %add3A_448 : i32
        %dma_start3A_450 = arith.constant 3 : i32
        %dma_start3A_451 = arith.constant 0 : i32
        %dma_start3A_452 = arith.constant 0 : i32
        %dma_start3A_453 = tpu.memref_slice %arg6[%dma_start3A_450, %dma_start3A_451, %dma_start3A_452] : memref<7x128x128xf32, #tpu.memory_space<vmem>> -> memref<1x128x128xf32, #tpu.memory_space<vmem>>
        %dma_start3A_454 = tpu.memref_squeeze %dma_start3A_453 : memref<1x128x128xf32, #tpu.memory_space<vmem>> -> memref<128x128xf32, #tpu.memory_space<vmem>>
        %dma_start3A_455 = arith.constant 0 : i32
        %dma_start3A_456 = tpu.memref_slice %arg5[%add3A_449, %dma_start3A_455] : memref<50x128xi32, #tpu.memory_space<vmem>> -> memref<1x128xi32, #tpu.memory_space<vmem>>
        %dma_start3A_457 = tpu.memref_squeeze %dma_start3A_456 : memref<1x128xi32, #tpu.memory_space<vmem>> -> memref<128xi32, #tpu.memory_space<vmem>>
        %dma_start3A_458 = arith.constant 0 : i32
        %dma_start3A_459 = arith.constant 0 : i32
        %dma_start3A_460 = tpu.memref_slice %arg3[%dma_start3A_458, %dma_start3A_459] : memref<100000x128xf32, #tpu.memory_space<hbm>> -> memref<100000x128xf32, #tpu.memory_space<hbm>>
        tpu.enqueue_indirect_dma source(%dma_start3A_460 : memref<100000x128xf32, #tpu.memory_space<hbm>>) target(%dma_start3A_454 : memref<128x128xf32, #tpu.memory_space<vmem>>) offsets(%dma_start3A_457 : memref<128xi32, #tpu.memory_space<vmem>>) semaphore(%arg10 : memref<!tpu.dma_semaphore, #tpu.memory_space<semaphore_mem>>)
      } else {
      }
      %add3A_407 = arith.constant 6 : i32
      %add3A_408 = arith.addi %add3A_187, %add3A_407 : i32
      %dma_wait3A_409 = arith.constant 0 : i32
      %dma_wait3A_410 = arith.constant 6 : i32
      %dma_wait3A_411 = arith.constant 0 : i32
      %dma_wait3A_412 = arith.constant 0 : i32
      %dma_wait3A_413 = tpu.memref_slice %arg6[%dma_wait3A_410, %dma_wait3A_411, %dma_wait3A_412] : memref<7x128x128xf32, #tpu.memory_space<vmem>> -> memref<1x128x128xf32, #tpu.memory_space<vmem>>
      %dma_wait3A_414 = tpu.memref_squeeze %dma_wait3A_413 : memref<1x128x128xf32, #tpu.memory_space<vmem>> -> memref<128x128xf32, #tpu.memory_space<vmem>>
      %dma_wait3A_415 = arith.constant 0 : i32
      %dma_wait3A_416 = tpu.memref_slice %arg5[%dma_wait3A_409, %dma_wait3A_415] : memref<50x128xi32, #tpu.memory_space<vmem>> -> memref<1x128xi32, #tpu.memory_space<vmem>>
      %dma_wait3A_417 = tpu.memref_squeeze %dma_wait3A_416 : memref<1x128xi32, #tpu.memory_space<vmem>> -> memref<128xi32, #tpu.memory_space<vmem>>
      %dma_wait3A_418 = arith.constant 0 : i32
      %dma_wait3A_419 = arith.constant 0 : i32
      %dma_wait3A_420 = tpu.memref_slice %arg3[%dma_wait3A_418, %dma_wait3A_419] : memref<100000x128xf32, #tpu.memory_space<hbm>> -> memref<100000x128xf32, #tpu.memory_space<hbm>>
      tpu.wait_indirect_dma semaphore(%arg13 : memref<!tpu.dma_semaphore, #tpu.memory_space<semaphore_mem>>) src(%dma_wait3A_420 : memref<100000x128xf32, #tpu.memory_space<hbm>>) dst(%dma_wait3A_414 : memref<128x128xf32, #tpu.memory_space<vmem>>)
      %mul3A_421 = arith.constant 128 : i32
      %mul3A_422 = arith.muli %add3A_408, %mul3A_421 : i32
      %add3A_423 = arith.addi %mul3A_2, %mul3A_422 : i32
      %dma_start3A_424 = arith.constant 6 : i32
      %dma_start3A_425 = arith.constant 0 : i32
      %dma_start3A_426 = arith.constant 0 : i32
      %dma_start3A_427 = tpu.memref_slice %arg6[%dma_start3A_424, %dma_start3A_425, %dma_start3A_426] : memref<7x128x128xf32, #tpu.memory_space<vmem>> -> memref<1x128x128xf32, #tpu.memory_space<vmem>>
      %dma_start3A_428 = tpu.memref_squeeze %dma_start3A_427 : memref<1x128x128xf32, #tpu.memory_space<vmem>> -> memref<128x128xf32, #tpu.memory_space<vmem>>
      %dma_start3A_429 = arith.constant 0 : i32
      %dma_start3A_430 = tpu.memref_slice %arg4[%add3A_423, %dma_start3A_429] : memref<204800x128xf32, #tpu.memory_space<hbm>> -> memref<128x128xf32, #tpu.memory_space<hbm>>
      %dma_start3A_431 = arith.constant 0 : i32
      %dma_start3A_432 = tpu.memref_slice %arg4[%add3A_423, %dma_start3A_431] : memref<204800x128xf32, #tpu.memory_space<hbm>> -> memref<128x128xf32, #tpu.memory_space<hbm>>
      %dma_start3A_433 = arith.constant 0 : i32
      %dma_start3A_434 = arith.constant 0 : i32
      %dma_start3A_435 = tpu.memref_slice %arg6[%dma_start3A_424, %dma_start3A_433, %dma_start3A_434] : memref<7x128x128xf32, #tpu.memory_space<vmem>> -> memref<1x128x128xf32, #tpu.memory_space<vmem>>
      %dma_start3A_436 = tpu.memref_squeeze %dma_start3A_435 : memref<1x128x128xf32, #tpu.memory_space<vmem>> -> memref<128x128xf32, #tpu.memory_space<vmem>>
      tpu.enqueue_dma source(%dma_start3A_436 : memref<128x128xf32, #tpu.memory_space<vmem>>) target(%dma_start3A_432 : memref<128x128xf32, #tpu.memory_space<hbm>>) target_semaphore(%arg20 : memref<!tpu.dma_semaphore, #tpu.memory_space<semaphore_mem>>)
      %add3A_437 = arith.constant 5 : i32
      %add3A_438 = arith.addi %add3A_408, %add3A_437 : i32
      %lt3A_439 = arith.constant 50 : i32
      %lt3A_440 = arith.cmpi slt, %add3A_438, %lt3A_439 : i32
      %convert_element_type3A_441 = arith.extui %lt3A_440 : i1 to i32
      %cond3A_442 = arith.constant 0 : i32
      %cond3A_443 = arith.cmpi ne, %convert_element_type3A_441, %cond3A_442 : i32
      scf.if %cond3A_443 {
        %ge3A = arith.constant 2 : i32
        %ge3A_444 = arith.cmpi sge, %add3A_408, %ge3A : i32
        %convert_element_type3A_445 = arith.extui %ge3A_444 : i1 to i32
        %cond3A_446 = arith.constant 0 : i32
        %cond3A_447 = arith.cmpi ne, %convert_element_type3A_445, %cond3A_446 : i32
        scf.if %cond3A_447 {
          %dma_wait3A_461 = arith.constant 4 : i32
          %dma_wait3A_462 = arith.constant 0 : i32
          %dma_wait3A_463 = arith.constant 0 : i32
          %dma_wait3A_464 = tpu.memref_slice %arg6[%dma_wait3A_461, %dma_wait3A_462, %dma_wait3A_463] : memref<7x128x128xf32, #tpu.memory_space<vmem>> -> memref<1x128x128xf32, #tpu.memory_space<vmem>>
          %dma_wait3A_465 = tpu.memref_squeeze %dma_wait3A_464 : memref<1x128x128xf32, #tpu.memory_space<vmem>> -> memref<128x128xf32, #tpu.memory_space<vmem>>
          %dma_wait3A_466 = arith.constant 0 : i32
          %dma_wait3A_467 = tpu.memref_slice %arg4[%mul3A_2, %dma_wait3A_466] : memref<204800x128xf32, #tpu.memory_space<hbm>> -> memref<128x128xf32, #tpu.memory_space<hbm>>
          %dma_wait3A_468 = arith.constant 0 : i32
          %dma_wait3A_469 = tpu.memref_slice %arg4[%mul3A_2, %dma_wait3A_468] : memref<204800x128xf32, #tpu.memory_space<hbm>> -> memref<128x128xf32, #tpu.memory_space<hbm>>
          %dma_wait3A_470 = arith.constant 0 : i32
          %dma_wait3A_471 = arith.constant 0 : i32
          %dma_wait3A_472 = tpu.memref_slice %arg6[%dma_wait3A_461, %dma_wait3A_470, %dma_wait3A_471] : memref<7x128x128xf32, #tpu.memory_space<vmem>> -> memref<1x128x128xf32, #tpu.memory_space<vmem>>
          %dma_wait3A_473 = tpu.memref_squeeze %dma_wait3A_472 : memref<1x128x128xf32, #tpu.memory_space<vmem>> -> memref<128x128xf32, #tpu.memory_space<vmem>>
          tpu.wait_dma2 semaphore(%arg18 : memref<!tpu.dma_semaphore, #tpu.memory_space<semaphore_mem>>) src(%dma_wait3A_473 : memref<128x128xf32, #tpu.memory_space<vmem>>) dst(%dma_wait3A_469 : memref<128x128xf32, #tpu.memory_space<hbm>>)
        } else {
        }
        %add3A_448 = arith.constant 5 : i32
        %add3A_449 = arith.addi %add3A_408, %add3A_448 : i32
        %dma_start3A_450 = arith.constant 4 : i32
        %dma_start3A_451 = arith.constant 0 : i32
        %dma_start3A_452 = arith.constant 0 : i32
        %dma_start3A_453 = tpu.memref_slice %arg6[%dma_start3A_450, %dma_start3A_451, %dma_start3A_452] : memref<7x128x128xf32, #tpu.memory_space<vmem>> -> memref<1x128x128xf32, #tpu.memory_space<vmem>>
        %dma_start3A_454 = tpu.memref_squeeze %dma_start3A_453 : memref<1x128x128xf32, #tpu.memory_space<vmem>> -> memref<128x128xf32, #tpu.memory_space<vmem>>
        %dma_start3A_455 = arith.constant 0 : i32
        %dma_start3A_456 = tpu.memref_slice %arg5[%add3A_449, %dma_start3A_455] : memref<50x128xi32, #tpu.memory_space<vmem>> -> memref<1x128xi32, #tpu.memory_space<vmem>>
        %dma_start3A_457 = tpu.memref_squeeze %dma_start3A_456 : memref<1x128xi32, #tpu.memory_space<vmem>> -> memref<128xi32, #tpu.memory_space<vmem>>
        %dma_start3A_458 = arith.constant 0 : i32
        %dma_start3A_459 = arith.constant 0 : i32
        %dma_start3A_460 = tpu.memref_slice %arg3[%dma_start3A_458, %dma_start3A_459] : memref<100000x128xf32, #tpu.memory_space<hbm>> -> memref<100000x128xf32, #tpu.memory_space<hbm>>
        tpu.enqueue_indirect_dma source(%dma_start3A_460 : memref<100000x128xf32, #tpu.memory_space<hbm>>) target(%dma_start3A_454 : memref<128x128xf32, #tpu.memory_space<vmem>>) offsets(%dma_start3A_457 : memref<128xi32, #tpu.memory_space<vmem>>) semaphore(%arg11 : memref<!tpu.dma_semaphore, #tpu.memory_space<semaphore_mem>>)
      } else {
      }
    }
    %scan3A_65 = arith.constant 7 : i32
    %dma_wait3A = arith.constant 0 : i32
    %dma_wait3A_66 = arith.constant 0 : i32
    %dma_wait3A_67 = arith.constant 0 : i32
    %dma_wait3A_68 = arith.constant 0 : i32
    %dma_wait3A_69 = tpu.memref_slice %arg6[%dma_wait3A_66, %dma_wait3A_67, %dma_wait3A_68] : memref<7x128x128xf32, #tpu.memory_space<vmem>> -> memref<1x128x128xf32, #tpu.memory_space<vmem>>
    %dma_wait3A_70 = tpu.memref_squeeze %dma_wait3A_69 : memref<1x128x128xf32, #tpu.memory_space<vmem>> -> memref<128x128xf32, #tpu.memory_space<vmem>>
    %dma_wait3A_71 = arith.constant 0 : i32
    %dma_wait3A_72 = tpu.memref_slice %arg5[%dma_wait3A, %dma_wait3A_71] : memref<50x128xi32, #tpu.memory_space<vmem>> -> memref<1x128xi32, #tpu.memory_space<vmem>>
    %dma_wait3A_73 = tpu.memref_squeeze %dma_wait3A_72 : memref<1x128xi32, #tpu.memory_space<vmem>> -> memref<128xi32, #tpu.memory_space<vmem>>
    %dma_wait3A_74 = arith.constant 0 : i32
    %dma_wait3A_75 = arith.constant 0 : i32
    %dma_wait3A_76 = tpu.memref_slice %arg3[%dma_wait3A_74, %dma_wait3A_75] : memref<100000x128xf32, #tpu.memory_space<hbm>> -> memref<100000x128xf32, #tpu.memory_space<hbm>>
    tpu.wait_indirect_dma semaphore(%arg7 : memref<!tpu.dma_semaphore, #tpu.memory_space<semaphore_mem>>) src(%dma_wait3A_76 : memref<100000x128xf32, #tpu.memory_space<hbm>>) dst(%dma_wait3A_70 : memref<128x128xf32, #tpu.memory_space<vmem>>)
    %add3A_77 = arith.constant 6272 : i32
    %add3A_78 = arith.addi %mul3A_2, %add3A_77 : i32
    %dma_start3A_79 = arith.constant 0 : i32
    %dma_start3A_80 = arith.constant 0 : i32
    %dma_start3A_81 = arith.constant 0 : i32
    %dma_start3A_82 = tpu.memref_slice %arg6[%dma_start3A_79, %dma_start3A_80, %dma_start3A_81] : memref<7x128x128xf32, #tpu.memory_space<vmem>> -> memref<1x128x128xf32, #tpu.memory_space<vmem>>
    %dma_start3A_83 = tpu.memref_squeeze %dma_start3A_82 : memref<1x128x128xf32, #tpu.memory_space<vmem>> -> memref<128x128xf32, #tpu.memory_space<vmem>>
    %dma_start3A_84 = arith.constant 0 : i32
    %dma_start3A_85 = tpu.memref_slice %arg4[%add3A_78, %dma_start3A_84] : memref<204800x128xf32, #tpu.memory_space<hbm>> -> memref<128x128xf32, #tpu.memory_space<hbm>>
    %dma_start3A_86 = arith.constant 0 : i32
    %dma_start3A_87 = tpu.memref_slice %arg4[%add3A_78, %dma_start3A_86] : memref<204800x128xf32, #tpu.memory_space<hbm>> -> memref<128x128xf32, #tpu.memory_space<hbm>>
    %dma_start3A_88 = arith.constant 0 : i32
    %dma_start3A_89 = arith.constant 0 : i32
    %dma_start3A_90 = tpu.memref_slice %arg6[%dma_start3A_79, %dma_start3A_88, %dma_start3A_89] : memref<7x128x128xf32, #tpu.memory_space<vmem>> -> memref<1x128x128xf32, #tpu.memory_space<vmem>>
    %dma_start3A_91 = tpu.memref_squeeze %dma_start3A_90 : memref<1x128x128xf32, #tpu.memory_space<vmem>> -> memref<128x128xf32, #tpu.memory_space<vmem>>
    tpu.enqueue_dma source(%dma_start3A_91 : memref<128x128xf32, #tpu.memory_space<vmem>>) target(%dma_start3A_87 : memref<128x128xf32, #tpu.memory_space<hbm>>) target_semaphore(%arg14 : memref<!tpu.dma_semaphore, #tpu.memory_space<semaphore_mem>>)
    %dma_wait3A_92 = arith.constant 0 : i32
    %dma_wait3A_93 = arith.constant 0 : i32
    %dma_wait3A_94 = arith.constant 0 : i32
    %dma_wait3A_95 = tpu.memref_slice %arg6[%dma_wait3A_92, %dma_wait3A_93, %dma_wait3A_94] : memref<7x128x128xf32, #tpu.memory_space<vmem>> -> memref<1x128x128xf32, #tpu.memory_space<vmem>>
    %dma_wait3A_96 = tpu.memref_squeeze %dma_wait3A_95 : memref<1x128x128xf32, #tpu.memory_space<vmem>> -> memref<128x128xf32, #tpu.memory_space<vmem>>
    %dma_wait3A_97 = arith.constant 0 : i32
    %dma_wait3A_98 = tpu.memref_slice %arg4[%mul3A_2, %dma_wait3A_97] : memref<204800x128xf32, #tpu.memory_space<hbm>> -> memref<128x128xf32, #tpu.memory_space<hbm>>
    %dma_wait3A_99 = arith.constant 0 : i32
    %dma_wait3A_100 = tpu.memref_slice %arg4[%mul3A_2, %dma_wait3A_99] : memref<204800x128xf32, #tpu.memory_space<hbm>> -> memref<128x128xf32, #tpu.memory_space<hbm>>
    %dma_wait3A_101 = arith.constant 0 : i32
    %dma_wait3A_102 = arith.constant 0 : i32
    %dma_wait3A_103 = tpu.memref_slice %arg6[%dma_wait3A_92, %dma_wait3A_101, %dma_wait3A_102] : memref<7x128x128xf32, #tpu.memory_space<vmem>> -> memref<1x128x128xf32, #tpu.memory_space<vmem>>
    %dma_wait3A_104 = tpu.memref_squeeze %dma_wait3A_103 : memref<1x128x128xf32, #tpu.memory_space<vmem>> -> memref<128x128xf32, #tpu.memory_space<vmem>>
    tpu.wait_dma2 semaphore(%arg14 : memref<!tpu.dma_semaphore, #tpu.memory_space<semaphore_mem>>) src(%dma_wait3A_104 : memref<128x128xf32, #tpu.memory_space<vmem>>) dst(%dma_wait3A_100 : memref<128x128xf32, #tpu.memory_space<hbm>>)
    %dma_wait3A_105 = arith.constant 1 : i32
    %dma_wait3A_106 = arith.constant 0 : i32
    %dma_wait3A_107 = arith.constant 0 : i32
    %dma_wait3A_108 = tpu.memref_slice %arg6[%dma_wait3A_105, %dma_wait3A_106, %dma_wait3A_107] : memref<7x128x128xf32, #tpu.memory_space<vmem>> -> memref<1x128x128xf32, #tpu.memory_space<vmem>>
    %dma_wait3A_109 = tpu.memref_squeeze %dma_wait3A_108 : memref<1x128x128xf32, #tpu.memory_space<vmem>> -> memref<128x128xf32, #tpu.memory_space<vmem>>
    %dma_wait3A_110 = arith.constant 0 : i32
    %dma_wait3A_111 = tpu.memref_slice %arg4[%mul3A_2, %dma_wait3A_110] : memref<204800x128xf32, #tpu.memory_space<hbm>> -> memref<128x128xf32, #tpu.memory_space<hbm>>
    %dma_wait3A_112 = arith.constant 0 : i32
    %dma_wait3A_113 = tpu.memref_slice %arg4[%mul3A_2, %dma_wait3A_112] : memref<204800x128xf32, #tpu.memory_space<hbm>> -> memref<128x128xf32, #tpu.memory_space<hbm>>
    %dma_wait3A_114 = arith.constant 0 : i32
    %dma_wait3A_115 = arith.constant 0 : i32
    %dma_wait3A_116 = tpu.memref_slice %arg6[%dma_wait3A_105, %dma_wait3A_114, %dma_wait3A_115] : memref<7x128x128xf32, #tpu.memory_space<vmem>> -> memref<1x128x128xf32, #tpu.memory_space<vmem>>
    %dma_wait3A_117 = tpu.memref_squeeze %dma_wait3A_116 : memref<1x128x128xf32, #tpu.memory_space<vmem>> -> memref<128x128xf32, #tpu.memory_space<vmem>>
    tpu.wait_dma2 semaphore(%arg15 : memref<!tpu.dma_semaphore, #tpu.memory_space<semaphore_mem>>) src(%dma_wait3A_117 : memref<128x128xf32, #tpu.memory_space<vmem>>) dst(%dma_wait3A_113 : memref<128x128xf32, #tpu.memory_space<hbm>>)
    %dma_wait3A_118 = arith.constant 2 : i32
    %dma_wait3A_119 = arith.constant 0 : i32
    %dma_wait3A_120 = arith.constant 0 : i32
    %dma_wait3A_121 = tpu.memref_slice %arg6[%dma_wait3A_118, %dma_wait3A_119, %dma_wait3A_120] : memref<7x128x128xf32, #tpu.memory_space<vmem>> -> memref<1x128x128xf32, #tpu.memory_space<vmem>>
    %dma_wait3A_122 = tpu.memref_squeeze %dma_wait3A_121 : memref<1x128x128xf32, #tpu.memory_space<vmem>> -> memref<128x128xf32, #tpu.memory_space<vmem>>
    %dma_wait3A_123 = arith.constant 0 : i32
    %dma_wait3A_124 = tpu.memref_slice %arg4[%mul3A_2, %dma_wait3A_123] : memref<204800x128xf32, #tpu.memory_space<hbm>> -> memref<128x128xf32, #tpu.memory_space<hbm>>
    %dma_wait3A_125 = arith.constant 0 : i32
    %dma_wait3A_126 = tpu.memref_slice %arg4[%mul3A_2, %dma_wait3A_125] : memref<204800x128xf32, #tpu.memory_space<hbm>> -> memref<128x128xf32, #tpu.memory_space<hbm>>
    %dma_wait3A_127 = arith.constant 0 : i32
    %dma_wait3A_128 = arith.constant 0 : i32
    %dma_wait3A_129 = tpu.memref_slice %arg6[%dma_wait3A_118, %dma_wait3A_127, %dma_wait3A_128] : memref<7x128x128xf32, #tpu.memory_space<vmem>> -> memref<1x128x128xf32, #tpu.memory_space<vmem>>
    %dma_wait3A_130 = tpu.memref_squeeze %dma_wait3A_129 : memref<1x128x128xf32, #tpu.memory_space<vmem>> -> memref<128x128xf32, #tpu.memory_space<vmem>>
    tpu.wait_dma2 semaphore(%arg16 : memref<!tpu.dma_semaphore, #tpu.memory_space<semaphore_mem>>) src(%dma_wait3A_130 : memref<128x128xf32, #tpu.memory_space<vmem>>) dst(%dma_wait3A_126 : memref<128x128xf32, #tpu.memory_space<hbm>>)
    %dma_wait3A_131 = arith.constant 3 : i32
    %dma_wait3A_132 = arith.constant 0 : i32
    %dma_wait3A_133 = arith.constant 0 : i32
    %dma_wait3A_134 = tpu.memref_slice %arg6[%dma_wait3A_131, %dma_wait3A_132, %dma_wait3A_133] : memref<7x128x128xf32, #tpu.memory_space<vmem>> -> memref<1x128x128xf32, #tpu.memory_space<vmem>>
    %dma_wait3A_135 = tpu.memref_squeeze %dma_wait3A_134 : memref<1x128x128xf32, #tpu.memory_space<vmem>> -> memref<128x128xf32, #tpu.memory_space<vmem>>
    %dma_wait3A_136 = arith.constant 0 : i32
    %dma_wait3A_137 = tpu.memref_slice %arg4[%mul3A_2, %dma_wait3A_136] : memref<204800x128xf32, #tpu.memory_space<hbm>> -> memref<128x128xf32, #tpu.memory_space<hbm>>
    %dma_wait3A_138 = arith.constant 0 : i32
    %dma_wait3A_139 = tpu.memref_slice %arg4[%mul3A_2, %dma_wait3A_138] : memref<204800x128xf32, #tpu.memory_space<hbm>> -> memref<128x128xf32, #tpu.memory_space<hbm>>
    %dma_wait3A_140 = arith.constant 0 : i32
    %dma_wait3A_141 = arith.constant 0 : i32
    %dma_wait3A_142 = tpu.memref_slice %arg6[%dma_wait3A_131, %dma_wait3A_140, %dma_wait3A_141] : memref<7x128x128xf32, #tpu.memory_space<vmem>> -> memref<1x128x128xf32, #tpu.memory_space<vmem>>
    %dma_wait3A_143 = tpu.memref_squeeze %dma_wait3A_142 : memref<1x128x128xf32, #tpu.memory_space<vmem>> -> memref<128x128xf32, #tpu.memory_space<vmem>>
    tpu.wait_dma2 semaphore(%arg17 : memref<!tpu.dma_semaphore, #tpu.memory_space<semaphore_mem>>) src(%dma_wait3A_143 : memref<128x128xf32, #tpu.memory_space<vmem>>) dst(%dma_wait3A_139 : memref<128x128xf32, #tpu.memory_space<hbm>>)
    %dma_wait3A_144 = arith.constant 4 : i32
    %dma_wait3A_145 = arith.constant 0 : i32
    %dma_wait3A_146 = arith.constant 0 : i32
    %dma_wait3A_147 = tpu.memref_slice %arg6[%dma_wait3A_144, %dma_wait3A_145, %dma_wait3A_146] : memref<7x128x128xf32, #tpu.memory_space<vmem>> -> memref<1x128x128xf32, #tpu.memory_space<vmem>>
    %dma_wait3A_148 = tpu.memref_squeeze %dma_wait3A_147 : memref<1x128x128xf32, #tpu.memory_space<vmem>> -> memref<128x128xf32, #tpu.memory_space<vmem>>
    %dma_wait3A_149 = arith.constant 0 : i32
    %dma_wait3A_150 = tpu.memref_slice %arg4[%mul3A_2, %dma_wait3A_149] : memref<204800x128xf32, #tpu.memory_space<hbm>> -> memref<128x128xf32, #tpu.memory_space<hbm>>
    %dma_wait3A_151 = arith.constant 0 : i32
    %dma_wait3A_152 = tpu.memref_slice %arg4[%mul3A_2, %dma_wait3A_151] : memref<204800x128xf32, #tpu.memory_space<hbm>> -> memref<128x128xf32, #tpu.memory_space<hbm>>
    %dma_wait3A_153 = arith.constant 0 : i32
    %dma_wait3A_154 = arith.constant 0 : i32
    %dma_wait3A_155 = tpu.memref_slice %arg6[%dma_wait3A_144, %dma_wait3A_153, %dma_wait3A_154] : memref<7x128x128xf32, #tpu.memory_space<vmem>> -> memref<1x128x128xf32, #tpu.memory_space<vmem>>
    %dma_wait3A_156 = tpu.memref_squeeze %dma_wait3A_155 : memref<1x128x128xf32, #tpu.memory_space<vmem>> -> memref<128x128xf32, #tpu.memory_space<vmem>>
    tpu.wait_dma2 semaphore(%arg18 : memref<!tpu.dma_semaphore, #tpu.memory_space<semaphore_mem>>) src(%dma_wait3A_156 : memref<128x128xf32, #tpu.memory_space<vmem>>) dst(%dma_wait3A_152 : memref<128x128xf32, #tpu.memory_space<hbm>>)
    %dma_wait3A_157 = arith.constant 5 : i32
    %dma_wait3A_158 = arith.constant 0 : i32
    %dma_wait3A_159 = arith.constant 0 : i32
    %dma_wait3A_160 = tpu.memref_slice %arg6[%dma_wait3A_157, %dma_wait3A_158, %dma_wait3A_159] : memref<7x128x128xf32, #tpu.memory_space<vmem>> -> memref<1x128x128xf32, #tpu.memory_space<vmem>>
    %dma_wait3A_161 = tpu.memref_squeeze %dma_wait3A_160 : memref<1x128x128xf32, #tpu.memory_space<vmem>> -> memref<128x128xf32, #tpu.memory_space<vmem>>
    %dma_wait3A_162 = arith.constant 0 : i32
    %dma_wait3A_163 = tpu.memref_slice %arg4[%mul3A_2, %dma_wait3A_162] : memref<204800x128xf32, #tpu.memory_space<hbm>> -> memref<128x128xf32, #tpu.memory_space<hbm>>
    %dma_wait3A_164 = arith.constant 0 : i32
    %dma_wait3A_165 = tpu.memref_slice %arg4[%mul3A_2, %dma_wait3A_164] : memref<204800x128xf32, #tpu.memory_space<hbm>> -> memref<128x128xf32, #tpu.memory_space<hbm>>
    %dma_wait3A_166 = arith.constant 0 : i32
    %dma_wait3A_167 = arith.constant 0 : i32
    %dma_wait3A_168 = tpu.memref_slice %arg6[%dma_wait3A_157, %dma_wait3A_166, %dma_wait3A_167] : memref<7x128x128xf32, #tpu.memory_space<vmem>> -> memref<1x128x128xf32, #tpu.memory_space<vmem>>
    %dma_wait3A_169 = tpu.memref_squeeze %dma_wait3A_168 : memref<1x128x128xf32, #tpu.memory_space<vmem>> -> memref<128x128xf32, #tpu.memory_space<vmem>>
    tpu.wait_dma2 semaphore(%arg19 : memref<!tpu.dma_semaphore, #tpu.memory_space<semaphore_mem>>) src(%dma_wait3A_169 : memref<128x128xf32, #tpu.memory_space<vmem>>) dst(%dma_wait3A_165 : memref<128x128xf32, #tpu.memory_space<hbm>>)
    %dma_wait3A_170 = arith.constant 6 : i32
    %dma_wait3A_171 = arith.constant 0 : i32
    %dma_wait3A_172 = arith.constant 0 : i32
    %dma_wait3A_173 = tpu.memref_slice %arg6[%dma_wait3A_170, %dma_wait3A_171, %dma_wait3A_172] : memref<7x128x128xf32, #tpu.memory_space<vmem>> -> memref<1x128x128xf32, #tpu.memory_space<vmem>>
    %dma_wait3A_174 = tpu.memref_squeeze %dma_wait3A_173 : memref<1x128x128xf32, #tpu.memory_space<vmem>> -> memref<128x128xf32, #tpu.memory_space<vmem>>
    %dma_wait3A_175 = arith.constant 0 : i32
    %dma_wait3A_176 = tpu.memref_slice %arg4[%mul3A_2, %dma_wait3A_175] : memref<204800x128xf32, #tpu.memory_space<hbm>> -> memref<128x128xf32, #tpu.memory_space<hbm>>
    %dma_wait3A_177 = arith.constant 0 : i32
    %dma_wait3A_178 = tpu.memref_slice %arg4[%mul3A_2, %dma_wait3A_177] : memref<204800x128xf32, #tpu.memory_space<hbm>> -> memref<128x128xf32, #tpu.memory_space<hbm>>
    %dma_wait3A_179 = arith.constant 0 : i32
    %dma_wait3A_180 = arith.constant 0 : i32
    %dma_wait3A_181 = tpu.memref_slice %arg6[%dma_wait3A_170, %dma_wait3A_179, %dma_wait3A_180] : memref<7x128x128xf32, #tpu.memory_space<vmem>> -> memref<1x128x128xf32, #tpu.memory_space<vmem>>
    %dma_wait3A_182 = tpu.memref_squeeze %dma_wait3A_181 : memref<1x128x128xf32, #tpu.memory_space<vmem>> -> memref<128x128xf32, #tpu.memory_space<vmem>>
    tpu.wait_dma2 semaphore(%arg20 : memref<!tpu.dma_semaphore, #tpu.memory_space<semaphore_mem>>) src(%dma_wait3A_182 : memref<128x128xf32, #tpu.memory_space<vmem>>) dst(%dma_wait3A_178 : memref<128x128xf32, #tpu.memory_space<hbm>>)
    return
  }
}

</mosaic_0001>

<sc_bundles>
// kernel: kernel.3.cloned.1.call-start
scs
__scs_entry_jumppad:
0x0: {  	(pc) =	sbr.rel $0x88, $3  }
0x1: {  	(tag) =	ssettag $0x0;
	lr =	simm.s32 $0x1  }
0x2: {  	[smem:$0x3F9F] =	sst lr;
	_ =	strace $0xD0000000  }
0x3: {  	_ = 	snop  }
0x4: {  	_ = 	snop  }
0x5: {  	_ = 	snop  }
0x6: {  	_ = 	snop  }
0x7: {  	_ = 	snop  }
__scs_overlays_trampoline_lowered:
0x8: {  	[smem:$0x3FAE] =	sst s0  }
0x9: {  	[smem:$0x3FAF] =	sst s1  }
0xa: {  	[smem:$0x3FB0] =	sst s2  }
0xb: {  	[smem:$0x3FB1] =	sst s3  }
0xc: {  	[smem:$0x3FB2] =	sst s4  }
0xd: {  	[smem:$0x3FB3] =	sst s5  }
0xe: {  	[smem:$0x3FB4] =	sst s6  }
0xf: {  	[smem:$0x3FB5] =	sst s7  }
0x10: {  	[smem:$0x3FB6] =	sst s8  }
0x11: {  	[smem:$0x3FB7] =	sst s9;
	s0 =	simm.s32 @!p0 $0x0  }
0x12: {  	s1 =	sld [smem:$0x3F9D];
	s0 =	simm.s32 @p0 $0x1  }
0x13: {  	[smem:$0x3FB8] =	sst s0;
	s0 =	simm.s32 @!p1 $0x0  }
0x14: {  	s2 =	sld [smem:$0x3F9C];
	s0 =	simm.s32 @p1 $0x1  }
0x15: {  	[smem:$0x3FB9] =	sst s0;
	s0 =	simm.s32 @!p2 $0x0  }
0x16: {  	s3 =	sld [smem:$0x3FDB];
	s0 =	simm.s32 @p2 $0x1  }
0x17: {  	s4 =	simm.s32 $0x1BF5;
	[smem:$0x3FBB] =	sst s0  }
0x18: {  	s0 =	sld [smem:$0x3F9E];
	_ =	swait.ge [sflag:s4], $0x0  }
0x19: {  	s7 =	sld [smem:$0x3F9F]  }
0x1a: {  	s8 =	sadd.s32 $0xFFFFE003, lr  }
0x1b: {  	s9 =	sadd.s32 $0xFFFFFEF7, lr;
	s5 =	simm.s32 $0xFFFFFFFF;
	p2 =	slt.u32 s8, $0xFFFFF086  }
0x1c: {  	p1 =	slt.u32 s9, $0xF7A;
	s5 =	simm.s32 @!p2 $0x0  }
0x1d: {  	s5 =	simm.s32 @p1 $0x1;
	p0 =	seq.s32 s7, s2  }
0x1e: {  	s7 =	smul.u32 @!p0 $0xF7A, s2;
	p2 =	seq.s32 @!p0 s5, $0x0  }
0x1f: {  	s9 =	smul.u32 $0xF7A, s1;
	s8 =	simm.s32 @!p0 $0x1BF5;
	p2 =	por !p2, p0  }
0x20: {  	[sflag:s8] =	ssyncset.s32 @!p0 $0xFFFFF086;
	s6 =	sadd.s32 @!p0 s3, s7;
	s7 =	simm.s32 @!p0 $0x108  }
0x21: {  	s3 =	sadd.s32 s3, s9;
	s6 =	sadd.s32 @!p0 $0x88, s6;
	s7 =	simm.s32 @p2 $0x1082  }
0x22: {  	[simem:s7], [sflag:s8] =	dma.local @!p0 [hbm:s6], $0xF7A  }
0x23: {  	s9 =	sor.u32 $0xD0000000, s2;
	s6 =	simm.s32 $0x108;
	_ =	swait.ge @!p0 [sflag:s8], $0x0  }
0x24: {  	s3 =	sadd.s32 $0x88, s3;
	s6 =	simm.s32 @!p1 $0x1082;
	[sflag:s4] =	ssyncset.s32 $0xFFFFF086  }
0x25: {  	[simem:s6], [sflag:s4] =	dma.local [hbm:s3], $0xF7A  }
0x26: {  	[smem:$0x3F9F] =	sst s1;
	(tag) =	ssettag s2;
	_ =	strace s9  }
0x27: {  	s1 =	sld [smem:$0x3FAF]  }
0x28: {  	s2 =	sld [smem:$0x3FB0]  }
0x29: {  	s4 =	sld [smem:$0x3FB2]  }
0x2a: {  	p0 =	seq.s32 s5, $0x0;
	s5 =	sld [smem:$0x3FB3]  }
0x2b: {  	s6 =	sld [smem:$0x3FB4]  }
0x2c: {  	s7 =	sld [smem:$0x3FB5]  }
0x2d: {  	s3 =	simm.s32 $0x108;
	s8 =	sld [smem:$0x3FB6]  }
0x2e: {  	s3 =	simm.s32 @!p0 $0x1082;
	s9 =	sld [smem:$0x3FB7]  }
0x2f: {  	lr =	sadd.s32 s0, s3;
	s0 =	sld [smem:$0x3FAE]  }
0x30: {  	s3 =	sld [smem:$0x3FB1]  }
0x31: {  	[smem:$0x3FBA] =	sst s10  }
0x32: {  	s10 =	sld [smem:$0x3FB8];
	_ =	sdelay $0x3  }
0x33: {  	p0 =	seq.s32 s10, $0x1;
	s10 =	sld [smem:$0x3FBA];
	_ =	sdelay $0x3  }
0x34: {  	[smem:$0x3FBA] =	sst s10  }
0x35: {  	s10 =	sld [smem:$0x3FB9];
	_ =	sdelay $0x3  }
0x36: {  	p1 =	seq.s32 s10, $0x1;
	s10 =	sld [smem:$0x3FBA];
	_ =	sdelay $0x3  }
0x37: {  	[smem:$0x3FBA] =	sst s10  }
0x38: {  	s10 =	sld [smem:$0x3FBB]  }
0x39: {  	_ = 	snop;
	(pc) =	sbr.ind lr, $3  }
0x3a: {  	_ = 	snop  }
0x3b: {  	_ = 	snop  }
0x3c: {  	p2 =	seq.s32 s10, $0x1;
	s10 =	sld [smem:$0x3FBA]  }
0x3d: {  	_ =	shalt  }
0x3e: {  	_ =	shalt  }
0x3f: {  	_ =	shalt  }
0x40: {  	_ =	shalt  }
0x41: {  	_ =	shalt  }
0x42: {  	_ =	shalt  }
0x43: {  	_ =	shalt  }
0x44: {  	_ =	shalt  }
0x45: {  	_ =	shalt  }
0x46: {  	_ =	shalt  }
0x47: {  	_ =	shalt  }
0x48: {  	_ =	shalt  }
0x49: {  	_ =	shalt  }
0x4a: {  	_ =	shalt  }
0x4b: {  	_ =	shalt  }
0x4c: {  	_ =	shalt  }
0x4d: {  	_ =	shalt  }
0x4e: {  	_ =	shalt  }
0x4f: {  	_ =	shalt  }
0x50: {  	_ =	shalt  }
0x51: {  	_ =	shalt  }
0x52: {  	_ =	shalt  }
0x53: {  	_ =	shalt  }
0x54: {  	_ =	shalt  }
0x55: {  	_ =	shalt  }
0x56: {  	_ =	shalt  }
0x57: {  	_ =	shalt  }
0x58: {  	_ =	shalt  }
0x59: {  	_ =	shalt  }
0x5a: {  	_ =	shalt  }
0x5b: {  	_ =	shalt  }
0x5c: {  	_ =	shalt  }
0x5d: {  	_ =	shalt  }
0x5e: {  	_ =	shalt  }
0x5f: {  	_ =	shalt  }
0x60: {  	_ =	shalt  }
0x61: {  	_ =	shalt  }
0x62: {  	_ =	shalt  }
0x63: {  	_ =	shalt  }
0x64: {  	_ =	shalt  }
0x65: {  	_ =	shalt  }
0x66: {  	_ =	shalt  }
0x67: {  	_ =	shalt  }
0x68: {  	_ =	shalt  }
0x69: {  	_ =	shalt  }
0x6a: {  	_ =	shalt  }
0x6b: {  	_ =	shalt  }
0x6c: {  	_ =	shalt  }
0x6d: {  	_ =	shalt  }
0x6e: {  	_ =	shalt  }
0x6f: {  	_ =	shalt  }
0x70: {  	_ =	shalt  }
0x71: {  	_ =	shalt  }
0x72: {  	_ =	shalt  }
0x73: {  	_ =	shalt  }
0x74: {  	_ =	shalt  }
0x75: {  	_ =	shalt  }
0x76: {  	_ =	shalt  }
0x77: {  	_ =	shalt  }
0x78: {  	_ =	shalt  }
0x79: {  	_ =	shalt  }
0x7a: {  	_ =	shalt  }
0x7b: {  	_ =	shalt  }
0x7c: {  	_ =	shalt  }
0x7d: {  	_ =	shalt  }
0x7e: {  	_ =	shalt  }
0x7f: {  	_ =	shalt  }
0x80: {  	_ =	shalt  }
0x81: {  	_ =	shalt  }
0x82: {  	_ =	shalt  }
0x83: {  	_ =	shalt  }
0x84: {  	_ =	shalt  }
0x85: {  	_ =	shalt  }
0x86: {  	_ =	shalt  }
0x87: {  	_ =	shalt  }
.Lfunc_end0:
.L_simem_size_0:
called_computation_lowered:
.L_overlay_start_0:
0x88: {  	s2 =	sld [smem:$0x3FD9]  }
0x89: {  	s3 =	sld [smem:$0x3FFE];
	_ =	sdelay $0x1  }
0x8a: {  	s1 =	srdreg.scid  }
0x8b: {  	s0 =	sand.u32 $0x1, s1  }
0x8c: {  	s17 =	sshll.u32 s0, $0xA;
	s2 =	sadd.s32 s3, s2  }
0x8d: {  	s2 =	sadd.s32 s2, s17  }
0x8e: {  	[smem:$0x3FC6] =	sst s2  }
0x8f: {  	_ = 	snop  }
0x90: {  	s2 =	sld [smem:$0x3FC8]  }
0x91: {  	s18 =	sld [smem:$0x3FD0];
	(tm) =	ssettm $0x1  }
0x92: {  	s4 =	sld [smem:$0x3FFB];
	_ =	sdelay $0x3  }
0x93: {  	_ =	strace s4  }
0x94: {  	s4 =	sld [smem:$0x3FFC];
	_ =	sdelay $0x3  }
0x95: {  	_ =	strace s4  }
0x96: {  	s4 =	sld [smem:$0x3FFD];
	_ =	sdelay $0x3  }
0x97: {  	_ =	strace s4  }
0x98: {  	_ =	strace $0x8FFFFFFF  }
0x99: {  	s19 =	sld [smem:$0x3FDB];
	_ =	sdelay $0x1  }
0x9a: {  	s5 =	simm.s32 $_scs_section_size  }
0x9b: {  	s6 =	simm.s32 $_size__tile_overlayer_lowered;
	s7 =	simm.s32 $_tile_overlayer_lowered  }
0x9c: {  	s22 =	simm.s32 $0x1BFF;
	s21 =	sshll.u32 s7, $0x1;
	s4 =	sadd.s32 s5, s19  }
0x9d: {  	s8 =	simm.s32 $0x0;
	s20 =	sshll.u32 s6, $0x1;
	s6 =	sadd.s32 s21, s4  }
0x9e: {  	[timem:s8], [sflag:s22] =	dma.local [hbm:s6], s20  }
0x9f: {  	_ =	swait.ge [sflag:s22], s20  }
0xa0: {  	s5 =	ssub.s32 $0x0, s20;
	[sflag:s22] =	ssyncset.done $0x0  }
0xa1: {  	[sflag:s22] =	ssyncadd.s32 s5;
	_ =	sdelay $0x1  }
0xa2: {  	s23 =	simm.s32 $0x1B8B  }
0xa3: {  	_ =	swait.ge [sflag:s23], $0x1  }
0xa4: {  	[sflag:s23] =	ssyncset.done $0x0  }
0xa5: {  	s25 =	simm.s32 $0x1B8E;
	s24 =	sld [smem:$0x3FFE];
	[sflag:s23] =	ssyncadd.s32 $0xFFFFFFFF  }
0xa6: {  	s26 =	simm.s32 $execute0_lowered;
	[smem:$0x3FD2] =	sst s25  }
0xa7: {  	s6 =	sshll.u32 s26, $0x1;
	_ =	strace $0x80000046;
	[dreg:$0x1] =	wrdreg $0xFFFFFFFF  }
0xa8: {  	s28 =	simm.s32 $_size_execute0_lowered;
	s4 =	sadd.s32 s4, s6;
	[dreg:$0x0] =	wrdreg $0x0  }
0xa9: {  	s6 =	sshll.u32 s28, $0x1;
	[dreg:$0x2] =	wrdreg s4  }
0xaa: {  	[dreg:$0x3] =	wrdreg s6  }
0xab: {  	[dreg:$0x4] =	wrdreg $0xC0  }
0xac: {  	_ =	task [dreg:s8], $0x5FFFF  }
0xad: {  	[dreg:$0x1] =	wrdreg $0xFFFFFFFF  }
0xae: {  	[dreg:$0x0] =	wrdreg $0x60  }
0xaf: {  	[dreg:$0x2] =	wrdreg s24  }
0xb0: {  	[dreg:$0x3] =	wrdreg s2  }
0xb1: {  	[dreg:$0x4] =	wrdreg s18  }
0xb2: {  	[dreg:$0x5] =	wrdreg $0x9  }
0xb3: {  	_ =	task.clear_ibuf [dreg:s8], $0x6FFFF;
	_ =	strace $0x90000046  }
0xb4: {  	s29 =	simm.s32 $0x9;
	_ =	strace $0x80000048  }
0xb5: {  	_ =	swait.ge [sflag:s29], $0x1  }
0xb6: {  	[sflag:s29] =	ssyncadd.s32 $0xFFFFFFFF  }
0xb7: {  	_ =	strace $0x90000048  }
0xb8: {  	_ =	sfence  }
0xb9: {  	s30 =	sld [smem:$0x0];
	_ =	sdelay $0x2  }
0xba: {  	s31 =	sshll.u32 s1, $0xD;
	s1 =	sshrl.u32 s1, $0x2  }
0xbb: {  	s3 =	sand.u32 $0x4000, s31;
	s1 =	sadd.s32 s1, s30  }
0xbc: {  	s0 =	sor.u32 s3, s0;
	s1 =	sshll.u32 s1, $0x11  }
0xbd: {  	s0 =	sor.u32 s1, s0  }
0xbe: {  	s0 =	sadd.s32 $0x8F2B, s0  }
0xbf: {  	[sflag:s0] =	ssyncadd.remote.s32 $0x1  }
0xc0: {  	_ =	sfence.sel $0xFFFF  }
0xc1: {  	[dreg:$0x0] =	wrdreg $0xFFFFFFFF;
	(pc) =	sbr.abs _section_cstart, $3  }
0xc2: {  	[dreg:$0x1] =	wrdreg $0xFFFFFFFF  }
0xc3: {  	_ =	task.clear_ibuf [dreg:s8], $0x2FFFF;
	_ =	strace $0x9FFFFFFF  }
0xc4: {  	(tm) =	ssettm $0x7FFFFFFF  }
0xc5: {  	_ =	shalt  }
tec
execute0_lowered:
.L_overlay_start_1:
0x0: {  	(tag) =	ssettag $0x1  }
0x1: {  	s0 =	rddreg [dreg:$0x0]  }
0x2: {  	s2 =	rddreg [dreg:$0x1];
	s1 =	srdreg.scid  }
0x3: {  	s9 =	stileid.u32;
	s4 =	rddreg [dreg:$0x2]  }
0x4: {  	s3 =	simm.s32 $0x0;
	s28 =	simm.s32 $0x2;
	s8 =	smul.u32 $0x32000, s9  }
0x5: {  	s1 =	sand.u32 $0x1, s1;
	s5 =	sshll.u32 s9, $0x1;
	s9 =	smul.u32 $0x190000, s9  }
0x6: {  	s29 =	simm.s32 $0x19C00;
	s30 =	simm.s32 $0x3;
	s17 =	smul.u32 $0xC8000, s1  }
0x7: {  	s5 =	sor.u32 s1, s5;
	s7 =	ssub.s32 $0x2, s1;
	s1 =	smul.u32 $0x19000, s1  }
0x8: {  	s31 =	simm.s32 $0x8;
	[smem:$0x7FF] =	sst s3;
	s6 =	smul.u32 $0x380, s5  }
0x9: {  	_ =	strace $0x80000047;
	s5 =	smul.u32 $0xC8000, s5;
	s19 =	sadd.s32 s8, s4  }
0xa: {  	s15 =	sshrl.u32 s7, $0x1;
	s8 =	sadd.s32 s1, s19;
	s19 =	simm.s32 $0x7  }
0xb: {  	s0 =	sadd.s32 s6, s0;
	s6 =	ssub.s32 s7, s15;
	s5 =	sshrl.u32 s5, $0x3  }
0xc: {  	s15 =	simm.s32 $0x0;
	s0 =	sadd.s32 $0x400, s0;
	s16 =	sadd.s32 s4, s5  }
0xd: {  	s6 =	smax.u32 s6, $0x1;
	s5 =	sadd.s32 s17, s9;
	[dreg:$0x4] =	wrdreg s0  }
0xe: {  	s17 =	simm.s32 $0x1C00;
	s18 =	sadd.s32 $0x18800, s16;
	[dreg:$0x6] =	wrdreg s6  }
0xf: {  	s7 =	sadd.s32 $0x17000, s16;
	s20 =	sadd.s32 $0x18000, s5;
	s21 =	sadd.s32 $0x14000, s5  }
0x10: {  	s22 =	sadd.s32 $0x10000, s5;
	s24 =	sadd.s32 $0xC000, s5;
	s25 =	sadd.s32 $0x8000, s5  }
0x11: {  	s5 =	sor.u32 $0x4000, s5;
	s16 =	simm.s32 $0x80;
	[dreg:$0x5] =	wrdreg s18  }
0x12: {  	s0 =	sshrl.u32 s20, $0x3;
	s1 =	sshrl.u32 s21, $0x3;
	s23 =	sshrl.u32 s22, $0x3  }
0x13: {  	s26 =	sshrl.u32 s5, $0x3;
	s20 =	simm.s32 $0x9C00;
	s22 =	simm.s32 $0xDC00  }
.Ltmp0:
0x14: {  	s5 =	simm.s32 $0xC;
	s9 =	sadd.s32 s0, s4;
	(pc) =	sbr.rel .LBB2_1-.Ltmp0, $4  }
0x15: {  	s10 =	sadd.s32 s1, s4;
	s11 =	sadd.s32 s23, s4;
	s0 =	sshrl.u32 s24, $0x3  }
0x16: {  	s1 =	sshrl.u32 s25, $0x3;
	s14 =	sadd.s32 s26, s4;
	s24 =	simm.s32 $0x11C00  }
0x17: {  	s25 =	simm.s32 $0x1;
	s26 =	simm.s32 $0x15C00;
	s12 =	sadd.s32 s0, s4  }
0x18: {  	s13 =	sadd.s32 s1, s4;
	s1 =	simm.s32 $0x4;
	s0 =	simm.s32 $0x6  }
.LBB2_4:
0x19: {  	_ =	swait.ge [sflag:s25], $0x4000  }
0x1a: {  	[sflag:s25] =	ssyncset.done $0x0  }
0x1b: {  	s4 =	rddreg [dreg:$0x5];
	[sflag:s25] =	ssyncadd.s32 $0xFFFFC000  }
0x1c: {  	[hbm4b:s4+s3] =	stream.linear.scatter [tilespmem:s17], [sflag:$0x8], $0x4000, $0x38;
	[tilespmem:$0x1DC00] =	vst v63  }
0x1d: {  	_ =	swait.ge [sflag:s31], $0x4000  }
0x1e: {  	[sflag:s31] =	ssyncset.done $0x0  }
0x1f: {  	s6 =	simm.s32 $0x9;
	[sflag:s31] =	ssyncadd.s32 $0xFFFFC000  }
0x20: {  	_ =	swait.ge [sflag:s6], $0x4000  }
0x21: {  	[sflag:s6] =	ssyncset.done $0x0  }
0x22: {  	s15 =	simm.s32 $0xA;
	[sflag:s6] =	ssyncadd.s32 $0xFFFFC000  }
0x23: {  	_ =	swait.ge [sflag:s15], $0x4000  }
0x24: {  	[sflag:s15] =	ssyncset.done $0x0  }
0x25: {  	s18 =	simm.s32 $0xB;
	[sflag:s15] =	ssyncadd.s32 $0xFFFFC000  }
0x26: {  	_ =	swait.ge [sflag:s18], $0x4000  }
0x27: {  	[sflag:s18] =	ssyncset.done $0x0  }
0x28: {  	[sflag:s18] =	ssyncadd.s32 $0xFFFFC000  }
0x29: {  	_ =	swait.ge [sflag:s5], $0x4000  }
0x2a: {  	[sflag:s5] =	ssyncset.done $0x0  }
0x2b: {  	s21 =	simm.s32 $0xD;
	[sflag:s5] =	ssyncadd.s32 $0xFFFFC000  }
0x2c: {  	_ =	swait.ge [sflag:s21], $0x4000  }
0x2d: {  	[sflag:s21] =	ssyncset.done $0x0  }
0x2e: {  	s6 =	simm.s32 $0xE;
	[sflag:s21] =	ssyncadd.s32 $0xFFFFC000  }
0x2f: {  	_ =	swait.ge [sflag:s6], $0x4000  }
0x30: {  	s15 =	rddreg [dreg:$0x7]  }
0x31: {  	s23 =	rddreg [dreg:$0x6];
	s15 =	sadd.s32 $0x1, s15  }
0x32: {  	p0 =	sne.s32 s15, s23  }
.Ltmp1:
0x33: {  	_ = 	snop;
	(pc) =	sbr.rel @!p0 .LBB2_5-.Ltmp1, $3  }
0x34: {  	_ =	sdelay $0x1  }
0x35: {  	[sflag:s6] =	ssyncset.done $0x0  }
0x36: {  	[sflag:s6] =	ssyncadd.s32 $0xFFFFC000  }
.LBB2_1:
0x37: {  	[dreg:$0x7] =	wrdreg s15  }
0x38: {  	s4 =	rddreg [dreg:$0x4];
	s6 =	simm.s32 $0xF  }
0x39: {  	[tilespmem:s3], [sflag:$0xF] =	stream.linear.gather [hbm4b:s4+s3], $0x1900, $0x38;
	[tilespmem:$0x1DC00] =	vst v63  }
0x3a: {  	_ =	swait.ge [sflag:s6], $0x1900  }
0x3b: {  	[sflag:s6] =	ssyncset.done $0x0  }
0x3c: {  	[sflag:s6] =	ssyncadd.s32 $0xFFFFE700  }
0x3d: {  	[tilespmem:s17], [sflag:$0x1] =	stream.indirect.gather [hbm4b:s2+s16], $0x80, s3, s16, $0xb8;
	[tilespmem:$0x1DC00] =	vst v63  }
0x3e: {  	s15 =	simm.s32 $0x5C00  }
0x3f: {  	[tilespmem:s15], [sflag:$0x2] =	stream.indirect.gather [hbm4b:s2+s16], $0x80, s16, s16, $0xb8;
	[tilespmem:$0x1DC00] =	vst v63  }
0x40: {  	s18 =	simm.s32 $0x100  }
0x41: {  	[tilespmem:s20], [sflag:$0x3] =	stream.indirect.gather [hbm4b:s2+s16], $0x80, s18, s16, $0xb8;
	[tilespmem:$0x1DC00] =	vst v63  }
0x42: {  	s21 =	simm.s32 $0x180  }
0x43: {  	[tilespmem:s22], [sflag:$0x4] =	stream.indirect.gather [hbm4b:s2+s16], $0x80, s21, s16, $0xb8;
	[tilespmem:$0x1DC00] =	vst v63  }
0x44: {  	s23 =	simm.s32 $0x200  }
0x45: {  	[tilespmem:s24], [sflag:$0x5] =	stream.indirect.gather [hbm4b:s2+s16], $0x80, s23, s16, $0xb8;
	[tilespmem:$0x1DC00] =	vst v63  }
0x46: {  	s4 =	simm.s32 $0x0;
	s23 =	simm.s32 $0x300  }
.LBB2_2:
0x47: {  	_ =	swait.ge [sflag:s25], $0x4000  }
0x48: {  	[sflag:s25] =	ssyncset.done $0x0  }
0x49: {  	s6 =	sadd.s32 s4, s8;
	p0 =	seq.s32 s4, $0x0;
	[sflag:s25] =	ssyncadd.s32 $0xFFFFC000  }
0x4a: {  	[hbm4b:s6+s3] =	stream.linear.scatter [tilespmem:s17], [sflag:$0x8], $0x4000, $0x38;
	[tilespmem:$0x1DC00] =	vst v63  }
0x4b: {  	s6 =	simm.s32 @!p0 $0xD  }
0x4c: {  	_ =	swait.ge @!p0 [sflag:s6], $0x4000  }
0x4d: {  	[sflag:s6] =	ssyncset.done @!p0 $0x0  }
0x4e: {  	s18 =	sadd.s32 $0xFFFFFF80, s23;
	[sflag:s6] =	ssyncadd.s32 @!p0 $0xFFFFC000  }
0x4f: {  	[tilespmem:s26], [sflag:$0x6] =	stream.indirect.gather [hbm4b:s2+s16], $0x80, s18, s16, $0xb8;
	[tilespmem:$0x1DC00] =	vst v63  }
0x50: {  	_ =	swait.ge [sflag:s28], $0x4000  }
0x51: {  	s21 =	sadd.s32 s4, s14;
	[sflag:s28] =	ssyncset.done $0x0  }
0x52: {  	s15 =	simm.s32 $0x5C00;
	s6 =	simm.s32 @!p0 $0xE;
	[sflag:s28] =	ssyncadd.s32 $0xFFFFC000  }
0x53: {  	[hbm4b:s21+s3] =	stream.linear.scatter [tilespmem:s15], [sflag:$0x9], $0x4000, $0x38;
	[tilespmem:$0x1DC00] =	vst v63  }
0x54: {  	_ =	swait.ge @!p0 [sflag:s6], $0x4000  }
0x55: {  	[sflag:s6] =	ssyncset.done @!p0 $0x0  }
0x56: {  	[sflag:s6] =	ssyncadd.s32 @!p0 $0xFFFFC000  }
0x57: {  	[tilespmem:s29], [sflag:$0x7] =	stream.indirect.gather [hbm4b:s2+s16], $0x80, s23, s16, $0xb8;
	[tilespmem:$0x1DC00] =	vst v63  }
0x58: {  	_ =	swait.ge [sflag:s30], $0x4000  }
0x59: {  	[sflag:s30] =	ssyncset.done $0x0  }
0x5a: {  	s18 =	sadd.s32 s4, s13;
	[sflag:s30] =	ssyncadd.s32 $0xFFFFC000  }
0x5b: {  	[hbm4b:s18+s3] =	stream.linear.scatter [tilespmem:s20], [sflag:$0xA], $0x4000, $0x38;
	[tilespmem:$0x1DC00] =	vst v63  }
0x5c: {  	_ =	swait.ge [sflag:s31], $0x4000  }
0x5d: {  	[sflag:s31] =	ssyncset.done $0x0  }
0x5e: {  	s21 =	sadd.s32 $0x80, s23;
	[sflag:s31] =	ssyncadd.s32 $0xFFFFC000  }
0x5f: {  	[tilespmem:s17], [sflag:$0x1] =	stream.indirect.gather [hbm4b:s2+s16], $0x80, s21, s16, $0xb8;
	[tilespmem:$0x1DC00] =	vst v63  }
0x60: {  	_ =	swait.ge [sflag:s1], $0x4000  }
0x61: {  	p0 =	seq.s32 s4, $0x15000;
	[sflag:s1] =	ssyncset.done $0x0  }
0x62: {  	s15 =	sadd.s32 s4, s12;
	s6 =	simm.s32 @p0 $0x5;
	[sflag:s1] =	ssyncadd.s32 $0xFFFFC000  }
0x63: {  	[hbm4b:s15+s3] =	stream.linear.scatter [tilespmem:s22], [sflag:$0xB], $0x4000, $0x38;
	[tilespmem:$0x1DC00] =	vst v63  }
0x64: {  	_ =	swait.ge @p0 [sflag:s6], $0x4000  }
0x65: {  	[sflag:s6] =	ssyncset.done @p0 $0x0  }
0x66: {  	s15 =	simm.s32 @p0 $0x11C00;
	[sflag:s6] =	ssyncadd.s32 @p0 $0xFFFFC000;
	s6 =	simm.s32 @p0 $0x0  }
0x67: {  	[hbm4b:s7+s6] =	stream.linear.scatter @p0 [tilespmem:s15], [sflag:$0xC], $0x4000, $0x38;
	[tilespmem:$0x1DC00] =	vst v63  }
0x68: {  	s6 =	simm.s32 @!p0 $0x9  }
0x69: {  	_ =	swait.ge @!p0 [sflag:s6], $0x4000  }
0x6a: {  	s21 =	simm.s32 @!p0 $0x5C00;
	[sflag:s6] =	ssyncset.done @!p0 $0x0  }
0x6b: {  	s15 =	simm.s32 @!p0 $0x80;
	[sflag:s6] =	ssyncadd.s32 @!p0 $0xFFFFC000;
	s6 =	sadd.s32 @!p0 $0x100, s23  }
0x6c: {  	[tilespmem:s21], [sflag:$0x2] =	stream.indirect.gather @!p0 [hbm4b:s2+s15], $0x80, s6, s15, $0xb8;
	[tilespmem:$0x1DC00] =	vst v63  }
0x6d: {  	s6 =	simm.s32 @!p0 $0x5  }
0x6e: {  	_ =	swait.ge @!p0 [sflag:s6], $0x4000  }
0x6f: {  	s18 =	simm.s32 @!p0 $0x11C00;
	[sflag:s6] =	ssyncset.done @!p0 $0x0  }
0x70: {  	s21 =	simm.s32 @!p0 $0x0;
	[sflag:s6] =	ssyncadd.s32 @!p0 $0xFFFFC000;
	s6 =	sadd.s32 @!p0 s4, s11  }
0x71: {  	[hbm4b:s6+s21] =	stream.linear.scatter @!p0 [tilespmem:s18], [sflag:$0xC], $0x4000, $0x38;
	[tilespmem:$0x1DC00] =	vst v63  }
0x72: {  	s6 =	simm.s32 @!p0 $0xA  }
0x73: {  	_ =	swait.ge @!p0 [sflag:s6], $0x4000  }
0x74: {  	[sflag:s6] =	ssyncset.done @!p0 $0x0  }
0x75: {  	s18 =	simm.s32 @!p0 $0x9C00;
	[sflag:s6] =	ssyncadd.s32 @!p0 $0xFFFFC000;
	s6 =	sadd.s32 @!p0 $0x180, s23  }
0x76: {  	[tilespmem:s18], [sflag:$0x3] =	stream.indirect.gather @!p0 [hbm4b:s2+s15], $0x80, s6, s15, $0xb8;
	[tilespmem:$0x1DC00] =	vst v63  }
0x77: {  	_ =	swait.ge [sflag:s0], $0x4000  }
0x78: {  	[sflag:s0] =	ssyncset.done $0x0  }
0x79: {  	s18 =	sadd.s32 s4, s10;
	s6 =	simm.s32 @!p0 $0xB;
	[sflag:s0] =	ssyncadd.s32 $0xFFFFC000  }
0x7a: {  	[hbm4b:s18+s3] =	stream.linear.scatter [tilespmem:s26], [sflag:$0xD], $0x4000, $0x38;
	[tilespmem:$0x1DC00] =	vst v63  }
0x7b: {  	_ =	swait.ge @!p0 [sflag:s6], $0x4000  }
0x7c: {  	[sflag:s6] =	ssyncset.done @!p0 $0x0  }
0x7d: {  	s18 =	simm.s32 @!p0 $0xDC00;
	[sflag:s6] =	ssyncadd.s32 @!p0 $0xFFFFC000;
	s6 =	sadd.s32 @!p0 $0x200, s23  }
0x7e: {  	[tilespmem:s18], [sflag:$0x4] =	stream.indirect.gather @!p0 [hbm4b:s2+s15], $0x80, s6, s15, $0xb8;
	[tilespmem:$0x1DC00] =	vst v63  }
.Ltmp2:
0x7f: {  	_ = 	snop;
	(pc) =	sbr.rel @p0 .LBB2_4-.Ltmp2, $4  }
0x80: {  	_ =	swait.ge [sflag:s19], $0x4000  }
0x81: {  	[sflag:s19] =	ssyncset.done $0x0  }
0x82: {  	s21 =	sadd.s32 s4, s9;
	[sflag:s19] =	ssyncadd.s32 $0xFFFFC000  }
0x83: {  	[hbm4b:s21+s3] =	stream.linear.scatter [tilespmem:s29], [sflag:$0xE], $0x4000, $0x38;
	[tilespmem:$0x1DC00] =	vst v63  }
.Ltmp3:
0x84: {  	(pc) =	sbr.rel .LBB2_2-.Ltmp3, $4  }
0x85: {  	_ =	swait.ge [sflag:s5], $0x4000  }
0x86: {  	s6 =	sadd.s32 $0x280, s23;
	[sflag:s5] =	ssyncset.done $0x0  }
0x87: {  	s4 =	sadd.s32 $0x3800, s4;
	s23 =	sadd.s32 $0x380, s23;
	[sflag:s5] =	ssyncadd.s32 $0xFFFFC000  }
0x88: {  	[tilespmem:s24], [sflag:$0x5] =	stream.indirect.gather [hbm4b:s2+s16], $0x80, s6, s16, $0xb8;
	[tilespmem:$0x1DC00] =	vst v63  }
.LBB2_5:
0x89: {  	_ =	sfence.sel $0x180000  }
0x8a: {  	[bflag:$0x0] =	sbarrier.arrive $0xFFFF  }
0x8b: {  	_ =	strace $0x90000047  }
0x8c: {  	s0 =	stileid.u32;
	[bflag:$0x2] =	sbarrier.arrive $0xFFFF  }
0x8d: {  	p0 =	sne.s32 s0, $0x0;
	s0 =	rddreg [dreg:$0x3]  }
0x8e: {  	s0 =	sadd.s32 @!p0 $0x100000, s0  }
0x8f: {  	[sflag:s0] =	ssyncadd.tile.s32 @!p0 $0x1;
	_ =	shalt  }
.Lfunc_end2:
_tile_overlayer_lowered:
.L_overlay_start_2:
0x90: {  	(tag) =	ssettag $0x2  }
0x91: {  	s0 =	rddreg [dreg:$0x0];
	s2 =	stileid.u32  }
0x92: {  	s1 =	rddreg [dreg:$0x1];
	p0 =	sne.s32 s2, $0x0  }
0x93: {  	s3 =	rddreg [dreg:$0x2];
	[bflag:$0x3] =	sbarrier.arrive $0xFFFF;
	s2 =	simm.s32 @!p0 $0x1C0F  }
0x94: {  	[timem:s3], [sflag:s2] =	dma.local @!p0 [hbm:s0], s1  }
0x95: {  	s0 =	simm.s32 @!p0 $0xF  }
0x96: {  	_ =	swait.ge @!p0 [sflag:s0], s1  }
0x97: {  	s1 =	ssub.s32 @!p0 $0x0, s1;
	[sflag:s0] =	ssyncset.done @!p0 $0x0  }
0x98: {  	[sflag:s0] =	ssyncadd.s32 @!p0 s1  }
0x99: {  	[bflag:$0x3] =	sbarrier.arrive $0xFFFF  }
0x9a: {  	_ =	shalt  }

</sc_bundles>
